<compile_context>
chip_gen: v7x
topology: tpu7x:2x2x1
jax: 0.10.2.dev20260603
libtpu: 0.0.44.dev20260713+nightly
codegen_flags: <defaults>
</compile_context>

<pallas_src>
import functools

import jax
import jax.numpy as jnp
from jax import lax
from jax.experimental import pallas as pl
from jax.experimental.pallas import tpu as pltpu
from jax.experimental.pallas import tpu_sc as plsc

_NC = 2
_NS = 16
_NW = _NC * _NS
_LANES = 16

_BPW = 128


def _make_embed(bsz, seq_len, vocab, dim):
    assert bsz == _BPW * _NW
    n_tok = _BPW * seq_len
    mesh = plsc.VectorSubcoreMesh(core_axis_name="c", subcore_axis_name="s")

    @functools.partial(
        pl.kernel,
        mesh=mesh,
        compiler_params=pltpu.CompilerParams(needs_layout_passes=False),
        out_type=jax.ShapeDtypeStruct((seq_len, dim, bsz), jnp.float32),
        scratch_types=[
            pltpu.VMEM((n_tok,), jnp.int32),
            pltpu.VMEM((vocab * dim,), jnp.float32),
            pltpu.VMEM((vocab * (dim + 1),), jnp.float32),
            pltpu.VMEM((dim, _BPW), jnp.float32),
            pltpu.VMEM((dim, _BPW), jnp.float32),
            pltpu.VMEM((_LANES,), jnp.int32),
            pltpu.SemaphoreType.DMA,
            pltpu.SemaphoreType.DMA,
        ],
    )
    def embed(text_hbm, msl_hbm, table_hbm, out_hbm, tok_v, tab_stage_v,
              tab_v, plane0_v, plane1_v, msl_v, osem0, osem1):
        wid = lax.axis_index("s") * _NC + lax.axis_index("c")
        b0 = wid * _BPW
        plane_v = (plane0_v, plane1_v)
        osem = (osem0, osem1)
        pltpu.sync_copy(text_hbm.at[pl.ds(b0 * seq_len, n_tok)], tok_v)
        pltpu.sync_copy(table_hbm, tab_stage_v)
        pltpu.sync_copy(msl_hbm, msl_v)
        msl_vec = msl_v[...]
        lane_ofs = lax.iota(jnp.int32, _LANES) * seq_len
        lane = lax.iota(jnp.int32, _LANES)
        stride = dim + 1

        @plsc.parallel_loop(0, vocab * dim // _LANES)
        def restripe(v0):
            vec = tab_stage_v[pl.ds(v0 * _LANES, _LANES)]
            row = v0 // (dim // _LANES)
            k = v0 % (dim // _LANES)
            plsc.store_scatter(
                tab_v, [lane + (row * stride + k * _LANES)], vec)

        def fill(l, p):
            plane = plane_v[p]

            @plsc.parallel_loop(0, _BPW // _LANES)
            def bg_body(bg):
                tok = plsc.load_gather(
                    tok_v, [lane_ofs + (bg * (_LANES * seq_len) + l)])
                idx = jnp.where(l < msl_vec, tok + 1, 0)
                src = idx * stride
                bg16 = bg * _LANES

                @plsc.parallel_loop(0, dim, unroll=16)
                def d_body(d):
                    val = plsc.load_gather(tab_v, [src + d])
                    plane.at[d][pl.ds(bg16, _LANES)] = val

        def out_start(l, p):
            pltpu.async_copy(
                plane_v[p], out_hbm.at[l, :, pl.ds(b0, _BPW)], osem[p])

        def out_wait(l, p):
            pltpu.make_async_copy(
                plane_v[p], out_hbm.at[l, :, pl.ds(b0, _BPW)],
                osem[p]).wait()

        fill(0, 0)
        out_start(0, 0)
        fill(1, 1)
        out_start(1, 1)

        def pair_body(l0, carry):
            for p in (0, 1):
                l = 2 * l0 + p
                out_wait(l - 2, p)
                fill(l, p)
                out_start(l, p)
            return carry

        lax.fori_loop(1, seq_len // 2, pair_body, 0)

        out_wait(seq_len - 2, 0)
        out_wait(seq_len - 1, 1)

    return embed


def kernel(text, max_seq_len, embed_table):
    bsz, seq_len = text.shape
    vocab, dim = embed_table.shape
    text_flat = text.reshape(bsz * seq_len)
    table_flat = embed_table.reshape(vocab * dim)
    msl = jnp.full((_LANES,), max_seq_len, dtype=jnp.int32)
    out_t = _make_embed(bsz, seq_len, vocab, dim)(text_flat, msl, table_flat)
    return jnp.transpose(out_t, (2, 0, 1))

# --- scband reference (transcript-rebuilt; emitter-appended) ---
"""Pipeline reference for scband-character-embed-300647711241 (READ-ONLY COPY).

The authoritative reference and input builder live on the scoring server;
editing this copy changes nothing except your own understanding.
"""

import jax, jax.numpy as jnp
import numpy as np


def pad_to_length(t, length, value=0):
    seq_len = t.shape[-1]
    if length > seq_len:
        t = jnp.pad(t, [(0, 0)] * (t.ndim - 1) + [(0, length - seq_len)], constant_values=value)
    return t[..., :length]


def setup_inputs(seed: int = 0) -> dict:
    key = jax.random.key(seed)
    k1, k2 = jax.random.split(key)
    text = jax.random.randint(k1, (4096, 200), 0, 256, dtype=jnp.int32)
    # nn.Embedding(num_embeds + 1, dim) -> (257, 64)
    embed_table = jax.random.normal(k2, (257, 64), dtype=jnp.float32) * 0.02
    return {"text": text, "max_seq_len": 200, "embed_table": embed_table}


def reference(text, max_seq_len, embed_table):
    # text = text + 1 (shift so 0 becomes the padding row)
    t = text + 1
    L = text.shape[1]
    t = jnp.where(jnp.arange(L) < max_seq_len, t, 0)
    t = pad_to_length(t, L, value=0)
    # embedding lookup: gather rows of the table
    out = jnp.take(embed_table, t, axis=0)
    return out

if __name__ == "__main__":
    import jax
    _d = setup_inputs()
    print(jax.jit(kernel)(*tuple(_d.values())))

</pallas_src>

<mosaic_0001>
#map = affine_map<(d0, d1) -> (0)>
#map1 = affine_map<(d0, d1) -> (0, 0, 0)>
module attributes {stable_mosaic.version = 14 : i64} {
  func.func @embed(%arg0: i32, %arg1: i32, %arg2: memref<819200xi32, #tpu.memory_space<hbm>>, %arg3: memref<16xi32, #tpu.memory_space<hbm>>, %arg4: memref<16448xf32, #tpu.memory_space<hbm>>, %arg5: memref<200x64x4096xf32, #tpu.memory_space<hbm>>, %arg6: memref<25600xi32, #tpu.memory_space<vmem>>, %arg7: memref<16448xf32, #tpu.memory_space<vmem>>, %arg8: memref<16705xf32, #tpu.memory_space<vmem>>, %arg9: memref<64x128xf32, #tpu.memory_space<vmem>>, %arg10: memref<64x128xf32, #tpu.memory_space<vmem>>, %arg11: memref<16xi32, #tpu.memory_space<vmem>>, %arg12: memref<!tpu.dma_semaphore, #tpu.memory_space<semaphore_mem>>, %arg13: memref<!tpu.dma_semaphore, #tpu.memory_space<semaphore_mem>>) attributes {dimension_semantics = [#tpu.dimension_semantics<core_parallel>, #tpu.dimension_semantics<subcore_parallel>], iteration_bounds = array<i64: 2, 16>, scalar_prefetch = 0 : i64, scratch_operands = 8 : i64, tpu.core_type = #tpu.core_type<sc_vector_subcore>, window_params = [{transform_indices = #map}, {transform_indices = #map}, {transform_indices = #map}, {transform_indices = #map1}]} {
    %mul3A = arith.constant 2 : i32
    %mul3A_0 = arith.muli %arg1, %mul3A : i32
    %add3A = arith.addi %mul3A_0, %arg0 : i32
    %mul3A_1 = arith.constant 128 : i32
    %mul3A_2 = arith.muli %add3A, %mul3A_1 : i32
    %mul3A_3 = arith.constant 200 : i32
    %mul3A_4 = arith.muli %mul3A_2, %mul3A_3 : i32
    "tpu.region"() ({
      %run_scoped3A = tpu.sem_alloc : memref<!tpu.dma_semaphore, #tpu.memory_space<semaphore_mem>>
      %dma_start3A_49 = tpu.memref_slice %arg2[%mul3A_4] : memref<819200xi32, #tpu.memory_space<hbm>> -> memref<25600xi32, #tpu.memory_space<hbm>>
      %dma_start3A_50 = tpu.memref_slice %arg2[%mul3A_4] : memref<819200xi32, #tpu.memory_space<hbm>> -> memref<25600xi32, #tpu.memory_space<hbm>>
      tpu.enqueue_dma source(%dma_start3A_50 : memref<25600xi32, #tpu.memory_space<hbm>>) target(%arg6 : memref<25600xi32, #tpu.memory_space<vmem>>) target_semaphore(%run_scoped3A : memref<!tpu.dma_semaphore, #tpu.memory_space<semaphore_mem>>)
      %dma_wait3A_51 = tpu.memref_slice %arg2[%mul3A_4] : memref<819200xi32, #tpu.memory_space<hbm>> -> memref<25600xi32, #tpu.memory_space<hbm>>
      %dma_wait3A_52 = tpu.memref_slice %arg2[%mul3A_4] : memref<819200xi32, #tpu.memory_space<hbm>> -> memref<25600xi32, #tpu.memory_space<hbm>>
      tpu.wait_dma2 semaphore(%run_scoped3A : memref<!tpu.dma_semaphore, #tpu.memory_space<semaphore_mem>>) src(%dma_wait3A_52 : memref<25600xi32, #tpu.memory_space<hbm>>) dst(%arg6 : memref<25600xi32, #tpu.memory_space<vmem>>)
      tpu.yield
    }) : () -> ()
    "tpu.region"() ({
      %run_scoped3A = tpu.sem_alloc : memref<!tpu.dma_semaphore, #tpu.memory_space<semaphore_mem>>
      tpu.enqueue_dma source(%arg4 : memref<16448xf32, #tpu.memory_space<hbm>>) target(%arg7 : memref<16448xf32, #tpu.memory_space<vmem>>) target_semaphore(%run_scoped3A : memref<!tpu.dma_semaphore, #tpu.memory_space<semaphore_mem>>)
      tpu.wait_dma2 semaphore(%run_scoped3A : memref<!tpu.dma_semaphore, #tpu.memory_space<semaphore_mem>>) src(%arg4 : memref<16448xf32, #tpu.memory_space<hbm>>) dst(%arg7 : memref<16448xf32, #tpu.memory_space<vmem>>)
      tpu.yield
    }) : () -> ()
    "tpu.region"() ({
      %run_scoped3A = tpu.sem_alloc : memref<!tpu.dma_semaphore, #tpu.memory_space<semaphore_mem>>
      tpu.enqueue_dma source(%arg3 : memref<16xi32, #tpu.memory_space<hbm>>) target(%arg11 : memref<16xi32, #tpu.memory_space<vmem>>) target_semaphore(%run_scoped3A : memref<!tpu.dma_semaphore, #tpu.memory_space<semaphore_mem>>)
      tpu.wait_dma2 semaphore(%run_scoped3A : memref<!tpu.dma_semaphore, #tpu.memory_space<semaphore_mem>>) src(%arg3 : memref<16xi32, #tpu.memory_space<hbm>>) dst(%arg11 : memref<16xi32, #tpu.memory_space<vmem>>)
      tpu.yield
    }) : () -> ()
    %get3A = arith.constant 0 : index
    %get3A_5 = tpu.vector_load %arg11[%get3A] {strides = array<i32>} : memref<16xi32, #tpu.memory_space<vmem>>, vector<16xi32>,
    %iota3A = tpu.iota {dimensions = array<i32: 0>} : vector<16xi32>
    %mul3A_6 = arith.constant 200 : i32
    %mul3A_7 = vector.broadcast %mul3A_6 : i32 to vector<16xi32>
    %mul3A_8 = arith.muli %iota3A, %mul3A_7 : vector<16xi32>
    %iota3A_9 = tpu.iota {dimensions = array<i32: 0>} : vector<16xi32>
    %parallel_loop3A = arith.constant 0 : i32
    %parallel_loop3A_10 = arith.constant 1028 : i32
    %parallel_loop3A_11 = arith.constant 1 : i32
    scf.for %parallel_loop3A_49 = %parallel_loop3A to %parallel_loop3A_10 step %parallel_loop3A_11  : i32 {
      %parallel_loop3A_50 = arith.constant 16 : i32
      %parallel_loop3A_51 = arith.muli %parallel_loop3A_49, %parallel_loop3A_50 : i32
      %parallel_loop3A_52 = arith.index_cast %parallel_loop3A_51 : i32 to index
      %parallel_loop3A_53 = tpu.vector_load %arg7[%parallel_loop3A_52] {strides = array<i32>} : memref<16448xf32, #tpu.memory_space<vmem>>, vector<16xf32>,
      %parallel_loop3A_54 = arith.constant 4 : i32
      %parallel_loop3A_55 = arith.divsi %parallel_loop3A_49, %parallel_loop3A_54 : i32
      %parallel_loop3A_56 = arith.constant 0 : i32
      %parallel_loop3A_57 = arith.cmpi sgt, %parallel_loop3A_49, %parallel_loop3A_56 : i32
      %parallel_loop3A_58 = arith.extui %parallel_loop3A_57 : i1 to i32
      %parallel_loop3A_59 = arith.constant 0 : i32
      %parallel_loop3A_60 = arith.cmpi slt, %parallel_loop3A_49, %parallel_loop3A_59 : i32
      %parallel_loop3A_61 = arith.extui %parallel_loop3A_60 : i1 to i32
      %parallel_loop3A_62 = arith.subi %parallel_loop3A_58, %parallel_loop3A_61 : i32
      %parallel_loop3A_63 = arith.constant 0 : i32
      %parallel_loop3A_64 = arith.cmpi sgt, %parallel_loop3A_54, %parallel_loop3A_63 : i32
      %parallel_loop3A_65 = arith.extui %parallel_loop3A_64 : i1 to i32
      %parallel_loop3A_66 = arith.constant 0 : i32
      %parallel_loop3A_67 = arith.cmpi slt, %parallel_loop3A_54, %parallel_loop3A_66 : i32
      %parallel_loop3A_68 = arith.extui %parallel_loop3A_67 : i1 to i32
      %parallel_loop3A_69 = arith.subi %parallel_loop3A_65, %parallel_loop3A_68 : i32
      %parallel_loop3A_70 = arith.cmpi ne, %parallel_loop3A_62, %parallel_loop3A_69 : i32
      %parallel_loop3A_71 = arith.remsi %parallel_loop3A_49, %parallel_loop3A_54 : i32
      %parallel_loop3A_72 = arith.constant 0 : i32
      %parallel_loop3A_73 = arith.cmpi ne, %parallel_loop3A_71, %parallel_loop3A_72 : i32
      %parallel_loop3A_74 = arith.andi %parallel_loop3A_70, %parallel_loop3A_73 : i1
      %parallel_loop3A_75 = arith.constant 1 : i32
      %parallel_loop3A_76 = arith.subi %parallel_loop3A_55, %parallel_loop3A_75 : i32
      %parallel_loop3A_77 = arith.select %parallel_loop3A_74, %parallel_loop3A_76, %parallel_loop3A_55 : i32
      %parallel_loop3A_78 = arith.constant 4 : i32
      %parallel_loop3A_79 = arith.constant 0 : i32
      %parallel_loop3A_80 = arith.cmpi eq, %parallel_loop3A_78, %parallel_loop3A_79 : i32
      %parallel_loop3A_81 = arith.constant 1 : i32
      %parallel_loop3A_82 = arith.select %parallel_loop3A_80, %parallel_loop3A_81, %parallel_loop3A_78 : i32
      %parallel_loop3A_83 = arith.remsi %parallel_loop3A_49, %parallel_loop3A_82 : i32
      %parallel_loop3A_84 = arith.constant 0 : i32
      %parallel_loop3A_85 = arith.cmpi ne, %parallel_loop3A_83, %parallel_loop3A_84 : i32
      %parallel_loop3A_86 = arith.constant 0 : i32
      %parallel_loop3A_87 = arith.cmpi slt, %parallel_loop3A_83, %parallel_loop3A_86 : i32
      %parallel_loop3A_88 = arith.constant 0 : i32
      %parallel_loop3A_89 = arith.cmpi slt, %parallel_loop3A_82, %parallel_loop3A_88 : i32
      %parallel_loop3A_90 = arith.xori %parallel_loop3A_87, %parallel_loop3A_89 : i1
      %parallel_loop3A_91 = arith.andi %parallel_loop3A_90, %parallel_loop3A_85 : i1
      %parallel_loop3A_92 = arith.addi %parallel_loop3A_83, %parallel_loop3A_82 : i32
      %parallel_loop3A_93 = arith.select %parallel_loop3A_91, %parallel_loop3A_92, %parallel_loop3A_83 : i32
      %parallel_loop3A_94 = arith.constant 65 : i32
      %parallel_loop3A_95 = arith.muli %parallel_loop3A_77, %parallel_loop3A_94 : i32
      %parallel_loop3A_96 = arith.constant 16 : i32
      %parallel_loop3A_97 = arith.muli %parallel_loop3A_93, %parallel_loop3A_96 : i32
      %parallel_loop3A_98 = arith.addi %parallel_loop3A_95, %parallel_loop3A_97 : i32
      %parallel_loop3A_99 = vector.broadcast %parallel_loop3A_98 : i32 to vector<16xi32>
      %parallel_loop3A_100 = arith.addi %iota3A_9, %parallel_loop3A_99 : vector<16xi32>
      tpu.vector_store_idx %arg8[%parallel_loop3A_100], %parallel_loop3A_53 : memref<16705xf32, #tpu.memory_space<vmem>>[vector<16xi32>], vector<16xf32>,
    } {sc.loop_unroll_factor = 1 : i64, sc.parallel_access}
    %parallel_loop3A_12 = arith.constant 0 : i32
    %parallel_loop3A_13 = arith.constant 8 : i32
    %parallel_loop3A_14 = arith.constant 1 : i32
    scf.for %parallel_loop3A_49 = %parallel_loop3A_12 to %parallel_loop3A_13 step %parallel_loop3A_14  : i32 {
      %parallel_loop3A_50 = arith.constant 3200 : i32
      %parallel_loop3A_51 = arith.muli %parallel_loop3A_49, %parallel_loop3A_50 : i32
      %parallel_loop3A_52 = arith.constant 0 : i32
      %parallel_loop3A_53 = arith.addi %parallel_loop3A_51, %parallel_loop3A_52 : i32
      %parallel_loop3A_54 = vector.broadcast %parallel_loop3A_53 : i32 to vector<16xi32>
      %parallel_loop3A_55 = arith.addi %mul3A_8, %parallel_loop3A_54 : vector<16xi32>
      %parallel_loop3A_56 = tpu.vector_load_idx %arg6[%parallel_loop3A_55] : memref<25600xi32, #tpu.memory_space<vmem>>[vector<16xi32>], vector<16xi32>,
      %parallel_loop3A_57 = arith.constant 0 : i32
      %parallel_loop3A_58 = vector.broadcast %parallel_loop3A_57 : i32 to vector<16xi32>
      %parallel_loop3A_59 = arith.cmpi sgt, %get3A_5, %parallel_loop3A_58 : vector<16xi32>
      %parallel_loop3A_60 = arith.constant 1 : i32
      %parallel_loop3A_61 = vector.broadcast %parallel_loop3A_60 : i32 to vector<16xi32>
      %parallel_loop3A_62 = arith.addi %parallel_loop3A_56, %parallel_loop3A_61 : vector<16xi32>
      %parallel_loop3A_63 = arith.constant 0 : i32
      %parallel_loop3A_64 = vector.broadcast %parallel_loop3A_63 : i32 to vector<16xi32>
      %parallel_loop3A_65 = arith.select %parallel_loop3A_59, %parallel_loop3A_62, %parallel_loop3A_64 : vector<16xi1>, vector<16xi32>
      %parallel_loop3A_66 = arith.constant 65 : i32
      %parallel_loop3A_67 = vector.broadcast %parallel_loop3A_66 : i32 to vector<16xi32>
      %parallel_loop3A_68 = arith.muli %parallel_loop3A_65, %parallel_loop3A_67 : vector<16xi32>
      %parallel_loop3A_69 = arith.constant 16 : i32
      %parallel_loop3A_70 = arith.muli %parallel_loop3A_49, %parallel_loop3A_69 : i32
      %parallel_loop3A_71 = arith.constant 0 : i32
      %parallel_loop3A_72 = arith.constant 64 : i32
      %parallel_loop3A_73 = arith.constant 1 : i32
      scf.for %parallel_loop3A_74 = %parallel_loop3A_71 to %parallel_loop3A_72 step %parallel_loop3A_73  : i32 {
        %parallel_loop3A_75 = vector.broadcast %parallel_loop3A_74 : i32 to vector<16xi32>
        %parallel_loop3A_76 = arith.addi %parallel_loop3A_68, %parallel_loop3A_75 : vector<16xi32>
        %parallel_loop3A_77 = tpu.vector_load_idx %arg8[%parallel_loop3A_76] : memref<16705xf32, #tpu.memory_space<vmem>>[vector<16xi32>], vector<16xf32>,
        %parallel_loop3A_78 = arith.constant 0 : i32
        %parallel_loop3A_79 = tpu.memref_slice %arg9[%parallel_loop3A_74, %parallel_loop3A_78] : memref<64x128xf32, #tpu.memory_space<vmem>> -> memref<1x128xf32, #tpu.memory_space<vmem>>
        %parallel_loop3A_80 = tpu.memref_squeeze %parallel_loop3A_79 : memref<1x128xf32, #tpu.memory_space<vmem>> -> memref<128xf32, #tpu.memory_space<vmem>>
        %parallel_loop3A_81 = arith.index_cast %parallel_loop3A_70 : i32 to index
        %parallel_loop3A_82 = tpu.vector_load %parallel_loop3A_80[%parallel_loop3A_81] {strides = array<i32>} : memref<128xf32, #tpu.memory_space<vmem>>, vector<16xf32>,
        tpu.vector_store %parallel_loop3A_80[%parallel_loop3A_81], %parallel_loop3A_77 {strides = array<i32>} : memref<128xf32, #tpu.memory_space<vmem>>, vector<16xf32>,
      } {sc.loop_unroll_factor = 16 : i64, sc.parallel_access}
    } {sc.loop_unroll_factor = 1 : i64, sc.parallel_access}
    %dma_start3A = arith.constant 0 : i32
    %dma_start3A_15 = arith.constant 0 : i32
    %dma_start3A_16 = tpu.memref_slice %arg5[%dma_start3A, %dma_start3A_15, %mul3A_2] : memref<200x64x4096xf32, #tpu.memory_space<hbm>> -> memref<1x64x128xf32, #tpu.memory_space<hbm>>
    %dma_start3A_17 = tpu.memref_squeeze %dma_start3A_16 : memref<1x64x128xf32, #tpu.memory_space<hbm>> -> memref<64x128xf32, #tpu.memory_space<hbm>>
    %dma_start3A_18 = arith.constant 0 : i32
    %dma_start3A_19 = tpu.memref_slice %arg5[%dma_start3A, %dma_start3A_18, %mul3A_2] : memref<200x64x4096xf32, #tpu.memory_space<hbm>> -> memref<1x64x128xf32, #tpu.memory_space<hbm>>
    %dma_start3A_20 = tpu.memref_squeeze %dma_start3A_19 : memref<1x64x128xf32, #tpu.memory_space<hbm>> -> memref<64x128xf32, #tpu.memory_space<hbm>>
    tpu.enqueue_dma source(%arg9 : memref<64x128xf32, #tpu.memory_space<vmem>>) target(%dma_start3A_20 : memref<64x128xf32, #tpu.memory_space<hbm>>) target_semaphore(%arg12 : memref<!tpu.dma_semaphore, #tpu.memory_space<semaphore_mem>>)
    %parallel_loop3A_21 = arith.constant 0 : i32
    %parallel_loop3A_22 = arith.constant 8 : i32
    %parallel_loop3A_23 = arith.constant 1 : i32
    scf.for %parallel_loop3A_49 = %parallel_loop3A_21 to %parallel_loop3A_22 step %parallel_loop3A_23  : i32 {
      %parallel_loop3A_50 = arith.constant 3200 : i32
      %parallel_loop3A_51 = arith.muli %parallel_loop3A_49, %parallel_loop3A_50 : i32
      %parallel_loop3A_52 = arith.constant 1 : i32
      %parallel_loop3A_53 = arith.addi %parallel_loop3A_51, %parallel_loop3A_52 : i32
      %parallel_loop3A_54 = vector.broadcast %parallel_loop3A_53 : i32 to vector<16xi32>
      %parallel_loop3A_55 = arith.addi %mul3A_8, %parallel_loop3A_54 : vector<16xi32>
      %parallel_loop3A_56 = tpu.vector_load_idx %arg6[%parallel_loop3A_55] : memref<25600xi32, #tpu.memory_space<vmem>>[vector<16xi32>], vector<16xi32>,
      %parallel_loop3A_57 = arith.constant 1 : i32
      %parallel_loop3A_58 = vector.broadcast %parallel_loop3A_57 : i32 to vector<16xi32>
      %parallel_loop3A_59 = arith.cmpi sgt, %get3A_5, %parallel_loop3A_58 : vector<16xi32>
      %parallel_loop3A_60 = arith.constant 1 : i32
      %parallel_loop3A_61 = vector.broadcast %parallel_loop3A_60 : i32 to vector<16xi32>
      %parallel_loop3A_62 = arith.addi %parallel_loop3A_56, %parallel_loop3A_61 : vector<16xi32>
      %parallel_loop3A_63 = arith.constant 0 : i32
      %parallel_loop3A_64 = vector.broadcast %parallel_loop3A_63 : i32 to vector<16xi32>
      %parallel_loop3A_65 = arith.select %parallel_loop3A_59, %parallel_loop3A_62, %parallel_loop3A_64 : vector<16xi1>, vector<16xi32>
      %parallel_loop3A_66 = arith.constant 65 : i32
      %parallel_loop3A_67 = vector.broadcast %parallel_loop3A_66 : i32 to vector<16xi32>
      %parallel_loop3A_68 = arith.muli %parallel_loop3A_65, %parallel_loop3A_67 : vector<16xi32>
      %parallel_loop3A_69 = arith.constant 16 : i32
      %parallel_loop3A_70 = arith.muli %parallel_loop3A_49, %parallel_loop3A_69 : i32
      %parallel_loop3A_71 = arith.constant 0 : i32
      %parallel_loop3A_72 = arith.constant 64 : i32
      %parallel_loop3A_73 = arith.constant 1 : i32
      scf.for %parallel_loop3A_74 = %parallel_loop3A_71 to %parallel_loop3A_72 step %parallel_loop3A_73  : i32 {
        %parallel_loop3A_75 = vector.broadcast %parallel_loop3A_74 : i32 to vector<16xi32>
        %parallel_loop3A_76 = arith.addi %parallel_loop3A_68, %parallel_loop3A_75 : vector<16xi32>
        %parallel_loop3A_77 = tpu.vector_load_idx %arg8[%parallel_loop3A_76] : memref<16705xf32, #tpu.memory_space<vmem>>[vector<16xi32>], vector<16xf32>,
        %parallel_loop3A_78 = arith.constant 0 : i32
        %parallel_loop3A_79 = tpu.memref_slice %arg10[%parallel_loop3A_74, %parallel_loop3A_78] : memref<64x128xf32, #tpu.memory_space<vmem>> -> memref<1x128xf32, #tpu.memory_space<vmem>>
        %parallel_loop3A_80 = tpu.memref_squeeze %parallel_loop3A_79 : memref<1x128xf32, #tpu.memory_space<vmem>> -> memref<128xf32, #tpu.memory_space<vmem>>
        %parallel_loop3A_81 = arith.index_cast %parallel_loop3A_70 : i32 to index
        %parallel_loop3A_82 = tpu.vector_load %parallel_loop3A_80[%parallel_loop3A_81] {strides = array<i32>} : memref<128xf32, #tpu.memory_space<vmem>>, vector<16xf32>,
        tpu.vector_store %parallel_loop3A_80[%parallel_loop3A_81], %parallel_loop3A_77 {strides = array<i32>} : memref<128xf32, #tpu.memory_space<vmem>>, vector<16xf32>,
      } {sc.loop_unroll_factor = 16 : i64, sc.parallel_access}
    } {sc.loop_unroll_factor = 1 : i64, sc.parallel_access}
    %dma_start3A_24 = arith.constant 1 : i32
    %dma_start3A_25 = arith.constant 0 : i32
    %dma_start3A_26 = tpu.memref_slice %arg5[%dma_start3A_24, %dma_start3A_25, %mul3A_2] : memref<200x64x4096xf32, #tpu.memory_space<hbm>> -> memref<1x64x128xf32, #tpu.memory_space<hbm>>
    %dma_start3A_27 = tpu.memref_squeeze %dma_start3A_26 : memref<1x64x128xf32, #tpu.memory_space<hbm>> -> memref<64x128xf32, #tpu.memory_space<hbm>>
    %dma_start3A_28 = arith.constant 0 : i32
    %dma_start3A_29 = tpu.memref_slice %arg5[%dma_start3A_24, %dma_start3A_28, %mul3A_2] : memref<200x64x4096xf32, #tpu.memory_space<hbm>> -> memref<1x64x128xf32, #tpu.memory_space<hbm>>
    %dma_start3A_30 = tpu.memref_squeeze %dma_start3A_29 : memref<1x64x128xf32, #tpu.memory_space<hbm>> -> memref<64x128xf32, #tpu.memory_space<hbm>>
    tpu.enqueue_dma source(%arg10 : memref<64x128xf32, #tpu.memory_space<vmem>>) target(%dma_start3A_30 : memref<64x128xf32, #tpu.memory_space<hbm>>) target_semaphore(%arg13 : memref<!tpu.dma_semaphore, #tpu.memory_space<semaphore_mem>>)
    %scan3A = arith.constant 0 : i32
    %scan3A_31 = arith.constant 1 : i32
    %scan3A_32 = arith.constant 99 : i32
    %scan3A_33 = arith.addi %scan3A_31, %scan3A_32 : i32
    %scan3A_34 = arith.constant 1 : i32
    scf.for %scan3A_49 = %scan3A_31 to %scan3A_33 step %scan3A_34  : i32 {
      %mul3A_50 = arith.constant 2 : i32
      %mul3A_51 = arith.muli %mul3A_50, %scan3A_49 : i32
      %add3A_52 = arith.constant 0 : i32
      %add3A_53 = arith.addi %mul3A_51, %add3A_52 : i32
      %sub3A = arith.constant 2 : i32
      %sub3A_54 = arith.subi %add3A_53, %sub3A : i32
      %dma_wait3A_55 = arith.constant 0 : i32
      %dma_wait3A_56 = tpu.memref_slice %arg5[%sub3A_54, %dma_wait3A_55, %mul3A_2] : memref<200x64x4096xf32, #tpu.memory_space<hbm>> -> memref<1x64x128xf32, #tpu.memory_space<hbm>>
      %dma_wait3A_57 = tpu.memref_squeeze %dma_wait3A_56 : memref<1x64x128xf32, #tpu.memory_space<hbm>> -> memref<64x128xf32, #tpu.memory_space<hbm>>
      %dma_wait3A_58 = arith.constant 0 : i32
      %dma_wait3A_59 = tpu.memref_slice %arg5[%sub3A_54, %dma_wait3A_58, %mul3A_2] : memref<200x64x4096xf32, #tpu.memory_space<hbm>> -> memref<1x64x128xf32, #tpu.memory_space<hbm>>
      %dma_wait3A_60 = tpu.memref_squeeze %dma_wait3A_59 : memref<1x64x128xf32, #tpu.memory_space<hbm>> -> memref<64x128xf32, #tpu.memory_space<hbm>>
      tpu.wait_dma2 semaphore(%arg12 : memref<!tpu.dma_semaphore, #tpu.memory_space<semaphore_mem>>) src(%arg9 : memref<64x128xf32, #tpu.memory_space<vmem>>) dst(%dma_wait3A_60 : memref<64x128xf32, #tpu.memory_space<hbm>>)
      %parallel_loop3A_61 = arith.constant 0 : i32
      %parallel_loop3A_62 = arith.constant 8 : i32
      %parallel_loop3A_63 = arith.constant 1 : i32
      scf.for %parallel_loop3A_91 = %parallel_loop3A_61 to %parallel_loop3A_62 step %parallel_loop3A_63  : i32 {
        %parallel_loop3A_92 = arith.constant 3200 : i32
        %parallel_loop3A_93 = arith.muli %parallel_loop3A_91, %parallel_loop3A_92 : i32
        %parallel_loop3A_94 = arith.addi %parallel_loop3A_93, %add3A_53 : i32
        %parallel_loop3A_95 = vector.broadcast %parallel_loop3A_94 : i32 to vector<16xi32>
        %parallel_loop3A_96 = arith.addi %mul3A_8, %parallel_loop3A_95 : vector<16xi32>
        %parallel_loop3A_97 = tpu.vector_load_idx %arg6[%parallel_loop3A_96] : memref<25600xi32, #tpu.memory_space<vmem>>[vector<16xi32>], vector<16xi32>,
        %parallel_loop3A_98 = vector.broadcast %add3A_53 : i32 to vector<16xi32>
        %parallel_loop3A_99 = arith.cmpi slt, %parallel_loop3A_98, %get3A_5 : vector<16xi32>
        %parallel_loop3A_100 = arith.constant 1 : i32
        %parallel_loop3A_101 = vector.broadcast %parallel_loop3A_100 : i32 to vector<16xi32>
        %parallel_loop3A_102 = arith.addi %parallel_loop3A_97, %parallel_loop3A_101 : vector<16xi32>
        %parallel_loop3A_103 = arith.constant 0 : i32
        %parallel_loop3A_104 = vector.broadcast %parallel_loop3A_103 : i32 to vector<16xi32>
        %parallel_loop3A_105 = arith.select %parallel_loop3A_99, %parallel_loop3A_102, %parallel_loop3A_104 : vector<16xi1>, vector<16xi32>
        %parallel_loop3A_106 = arith.constant 65 : i32
        %parallel_loop3A_107 = vector.broadcast %parallel_loop3A_106 : i32 to vector<16xi32>
        %parallel_loop3A_108 = arith.muli %parallel_loop3A_105, %parallel_loop3A_107 : vector<16xi32>
        %parallel_loop3A_109 = arith.constant 16 : i32
        %parallel_loop3A_110 = arith.muli %parallel_loop3A_91, %parallel_loop3A_109 : i32
        %parallel_loop3A_111 = arith.constant 0 : i32
        %parallel_loop3A_112 = arith.constant 64 : i32
        %parallel_loop3A_113 = arith.constant 1 : i32
        scf.for %parallel_loop3A_114 = %parallel_loop3A_111 to %parallel_loop3A_112 step %parallel_loop3A_113  : i32 {
          %parallel_loop3A_115 = vector.broadcast %parallel_loop3A_114 : i32 to vector<16xi32>
          %parallel_loop3A_116 = arith.addi %parallel_loop3A_108, %parallel_loop3A_115 : vector<16xi32>
          %parallel_loop3A_117 = tpu.vector_load_idx %arg8[%parallel_loop3A_116] : memref<16705xf32, #tpu.memory_space<vmem>>[vector<16xi32>], vector<16xf32>,
          %parallel_loop3A_118 = arith.constant 0 : i32
          %parallel_loop3A_119 = tpu.memref_slice %arg9[%parallel_loop3A_114, %parallel_loop3A_118] : memref<64x128xf32, #tpu.memory_space<vmem>> -> memref<1x128xf32, #tpu.memory_space<vmem>>
          %parallel_loop3A_120 = tpu.memref_squeeze %parallel_loop3A_119 : memref<1x128xf32, #tpu.memory_space<vmem>> -> memref<128xf32, #tpu.memory_space<vmem>>
          %parallel_loop3A_121 = arith.index_cast %parallel_loop3A_110 : i32 to index
          %parallel_loop3A_122 = tpu.vector_load %parallel_loop3A_120[%parallel_loop3A_121] {strides = array<i32>} : memref<128xf32, #tpu.memory_space<vmem>>, vector<16xf32>,
          tpu.vector_store %parallel_loop3A_120[%parallel_loop3A_121], %parallel_loop3A_117 {strides = array<i32>} : memref<128xf32, #tpu.memory_space<vmem>>, vector<16xf32>,
        } {sc.loop_unroll_factor = 16 : i64, sc.parallel_access}
      } {sc.loop_unroll_factor = 1 : i64, sc.parallel_access}
      %dma_start3A_64 = arith.constant 0 : i32
      %dma_start3A_65 = tpu.memref_slice %arg5[%add3A_53, %dma_start3A_64, %mul3A_2] : memref<200x64x4096xf32, #tpu.memory_space<hbm>> -> memref<1x64x128xf32, #tpu.memory_space<hbm>>
      %dma_start3A_66 = tpu.memref_squeeze %dma_start3A_65 : memref<1x64x128xf32, #tpu.memory_space<hbm>> -> memref<64x128xf32, #tpu.memory_space<hbm>>
      %dma_start3A_67 = arith.constant 0 : i32
      %dma_start3A_68 = tpu.memref_slice %arg5[%add3A_53, %dma_start3A_67, %mul3A_2] : memref<200x64x4096xf32, #tpu.memory_space<hbm>> -> memref<1x64x128xf32, #tpu.memory_space<hbm>>
      %dma_start3A_69 = tpu.memref_squeeze %dma_start3A_68 : memref<1x64x128xf32, #tpu.memory_space<hbm>> -> memref<64x128xf32, #tpu.memory_space<hbm>>
      tpu.enqueue_dma source(%arg9 : memref<64x128xf32, #tpu.memory_space<vmem>>) target(%dma_start3A_69 : memref<64x128xf32, #tpu.memory_space<hbm>>) target_semaphore(%arg12 : memref<!tpu.dma_semaphore, #tpu.memory_space<semaphore_mem>>)
      %mul3A_70 = arith.constant 2 : i32
      %mul3A_71 = arith.muli %mul3A_70, %scan3A_49 : i32
      %add3A_72 = arith.constant 1 : i32
      %add3A_73 = arith.addi %mul3A_71, %add3A_72 : i32
      %sub3A_74 = arith.constant 2 : i32
      %sub3A_75 = arith.subi %add3A_73, %sub3A_74 : i32
      %dma_wait3A_76 = arith.constant 0 : i32
      %dma_wait3A_77 = tpu.memref_slice %arg5[%sub3A_75, %dma_wait3A_76, %mul3A_2] : memref<200x64x4096xf32, #tpu.memory_space<hbm>> -> memref<1x64x128xf32, #tpu.memory_space<hbm>>
      %dma_wait3A_78 = tpu.memref_squeeze %dma_wait3A_77 : memref<1x64x128xf32, #tpu.memory_space<hbm>> -> memref<64x128xf32, #tpu.memory_space<hbm>>
      %dma_wait3A_79 = arith.constant 0 : i32
      %dma_wait3A_80 = tpu.memref_slice %arg5[%sub3A_75, %dma_wait3A_79, %mul3A_2] : memref<200x64x4096xf32, #tpu.memory_space<hbm>> -> memref<1x64x128xf32, #tpu.memory_space<hbm>>
      %dma_wait3A_81 = tpu.memref_squeeze %dma_wait3A_80 : memref<1x64x128xf32, #tpu.memory_space<hbm>> -> memref<64x128xf32, #tpu.memory_space<hbm>>
      tpu.wait_dma2 semaphore(%arg13 : memref<!tpu.dma_semaphore, #tpu.memory_space<semaphore_mem>>) src(%arg10 : memref<64x128xf32, #tpu.memory_space<vmem>>) dst(%dma_wait3A_81 : memref<64x128xf32, #tpu.memory_space<hbm>>)
      %parallel_loop3A_82 = arith.constant 0 : i32
      %parallel_loop3A_83 = arith.constant 8 : i32
      %parallel_loop3A_84 = arith.constant 1 : i32
      scf.for %parallel_loop3A_91 = %parallel_loop3A_82 to %parallel_loop3A_83 step %parallel_loop3A_84  : i32 {
        %parallel_loop3A_92 = arith.constant 3200 : i32
        %parallel_loop3A_93 = arith.muli %parallel_loop3A_91, %parallel_loop3A_92 : i32
        %parallel_loop3A_94 = arith.addi %parallel_loop3A_93, %add3A_73 : i32
        %parallel_loop3A_95 = vector.broadcast %parallel_loop3A_94 : i32 to vector<16xi32>
        %parallel_loop3A_96 = arith.addi %mul3A_8, %parallel_loop3A_95 : vector<16xi32>
        %parallel_loop3A_97 = tpu.vector_load_idx %arg6[%parallel_loop3A_96] : memref<25600xi32, #tpu.memory_space<vmem>>[vector<16xi32>], vector<16xi32>,
        %parallel_loop3A_98 = vector.broadcast %add3A_73 : i32 to vector<16xi32>
        %parallel_loop3A_99 = arith.cmpi slt, %parallel_loop3A_98, %get3A_5 : vector<16xi32>
        %parallel_loop3A_100 = arith.constant 1 : i32
        %parallel_loop3A_101 = vector.broadcast %parallel_loop3A_100 : i32 to vector<16xi32>
        %parallel_loop3A_102 = arith.addi %parallel_loop3A_97, %parallel_loop3A_101 : vector<16xi32>
        %parallel_loop3A_103 = arith.constant 0 : i32
        %parallel_loop3A_104 = vector.broadcast %parallel_loop3A_103 : i32 to vector<16xi32>
        %parallel_loop3A_105 = arith.select %parallel_loop3A_99, %parallel_loop3A_102, %parallel_loop3A_104 : vector<16xi1>, vector<16xi32>
        %parallel_loop3A_106 = arith.constant 65 : i32
        %parallel_loop3A_107 = vector.broadcast %parallel_loop3A_106 : i32 to vector<16xi32>
        %parallel_loop3A_108 = arith.muli %parallel_loop3A_105, %parallel_loop3A_107 : vector<16xi32>
        %parallel_loop3A_109 = arith.constant 16 : i32
        %parallel_loop3A_110 = arith.muli %parallel_loop3A_91, %parallel_loop3A_109 : i32
        %parallel_loop3A_111 = arith.constant 0 : i32
        %parallel_loop3A_112 = arith.constant 64 : i32
        %parallel_loop3A_113 = arith.constant 1 : i32
        scf.for %parallel_loop3A_114 = %parallel_loop3A_111 to %parallel_loop3A_112 step %parallel_loop3A_113  : i32 {
          %parallel_loop3A_115 = vector.broadcast %parallel_loop3A_114 : i32 to vector<16xi32>
          %parallel_loop3A_116 = arith.addi %parallel_loop3A_108, %parallel_loop3A_115 : vector<16xi32>
          %parallel_loop3A_117 = tpu.vector_load_idx %arg8[%parallel_loop3A_116] : memref<16705xf32, #tpu.memory_space<vmem>>[vector<16xi32>], vector<16xf32>,
          %parallel_loop3A_118 = arith.constant 0 : i32
          %parallel_loop3A_119 = tpu.memref_slice %arg10[%parallel_loop3A_114, %parallel_loop3A_118] : memref<64x128xf32, #tpu.memory_space<vmem>> -> memref<1x128xf32, #tpu.memory_space<vmem>>
          %parallel_loop3A_120 = tpu.memref_squeeze %parallel_loop3A_119 : memref<1x128xf32, #tpu.memory_space<vmem>> -> memref<128xf32, #tpu.memory_space<vmem>>
          %parallel_loop3A_121 = arith.index_cast %parallel_loop3A_110 : i32 to index
          %parallel_loop3A_122 = tpu.vector_load %parallel_loop3A_120[%parallel_loop3A_121] {strides = array<i32>} : memref<128xf32, #tpu.memory_space<vmem>>, vector<16xf32>,
          tpu.vector_store %parallel_loop3A_120[%parallel_loop3A_121], %parallel_loop3A_117 {strides = array<i32>} : memref<128xf32, #tpu.memory_space<vmem>>, vector<16xf32>,
        } {sc.loop_unroll_factor = 16 : i64, sc.parallel_access}
      } {sc.loop_unroll_factor = 1 : i64, sc.parallel_access}
      %dma_start3A_85 = arith.constant 0 : i32
      %dma_start3A_86 = tpu.memref_slice %arg5[%add3A_73, %dma_start3A_85, %mul3A_2] : memref<200x64x4096xf32, #tpu.memory_space<hbm>> -> memref<1x64x128xf32, #tpu.memory_space<hbm>>
      %dma_start3A_87 = tpu.memref_squeeze %dma_start3A_86 : memref<1x64x128xf32, #tpu.memory_space<hbm>> -> memref<64x128xf32, #tpu.memory_space<hbm>>
      %dma_start3A_88 = arith.constant 0 : i32
      %dma_start3A_89 = tpu.memref_slice %arg5[%add3A_73, %dma_start3A_88, %mul3A_2] : memref<200x64x4096xf32, #tpu.memory_space<hbm>> -> memref<1x64x128xf32, #tpu.memory_space<hbm>>
      %dma_start3A_90 = tpu.memref_squeeze %dma_start3A_89 : memref<1x64x128xf32, #tpu.memory_space<hbm>> -> memref<64x128xf32, #tpu.memory_space<hbm>>
      tpu.enqueue_dma source(%arg10 : memref<64x128xf32, #tpu.memory_space<vmem>>) target(%dma_start3A_90 : memref<64x128xf32, #tpu.memory_space<hbm>>) target_semaphore(%arg13 : memref<!tpu.dma_semaphore, #tpu.memory_space<semaphore_mem>>)
    }
    %scan3A_35 = arith.constant 99 : i32
    %dma_wait3A = arith.constant 198 : i32
    %dma_wait3A_36 = arith.constant 0 : i32
    %dma_wait3A_37 = tpu.memref_slice %arg5[%dma_wait3A, %dma_wait3A_36, %mul3A_2] : memref<200x64x4096xf32, #tpu.memory_space<hbm>> -> memref<1x64x128xf32, #tpu.memory_space<hbm>>
    %dma_wait3A_38 = tpu.memref_squeeze %dma_wait3A_37 : memref<1x64x128xf32, #tpu.memory_space<hbm>> -> memref<64x128xf32, #tpu.memory_space<hbm>>
    %dma_wait3A_39 = arith.constant 0 : i32
    %dma_wait3A_40 = tpu.memref_slice %arg5[%dma_wait3A, %dma_wait3A_39, %mul3A_2] : memref<200x64x4096xf32, #tpu.memory_space<hbm>> -> memref<1x64x128xf32, #tpu.memory_space<hbm>>
    %dma_wait3A_41 = tpu.memref_squeeze %dma_wait3A_40 : memref<1x64x128xf32, #tpu.memory_space<hbm>> -> memref<64x128xf32, #tpu.memory_space<hbm>>
    tpu.wait_dma2 semaphore(%arg12 : memref<!tpu.dma_semaphore, #tpu.memory_space<semaphore_mem>>) src(%arg9 : memref<64x128xf32, #tpu.memory_space<vmem>>) dst(%dma_wait3A_41 : memref<64x128xf32, #tpu.memory_space<hbm>>)
    %dma_wait3A_42 = arith.constant 199 : i32
    %dma_wait3A_43 = arith.constant 0 : i32
    %dma_wait3A_44 = tpu.memref_slice %arg5[%dma_wait3A_42, %dma_wait3A_43, %mul3A_2] : memref<200x64x4096xf32, #tpu.memory_space<hbm>> -> memref<1x64x128xf32, #tpu.memory_space<hbm>>
    %dma_wait3A_45 = tpu.memref_squeeze %dma_wait3A_44 : memref<1x64x128xf32, #tpu.memory_space<hbm>> -> memref<64x128xf32, #tpu.memory_space<hbm>>
    %dma_wait3A_46 = arith.constant 0 : i32
    %dma_wait3A_47 = tpu.memref_slice %arg5[%dma_wait3A_42, %dma_wait3A_46, %mul3A_2] : memref<200x64x4096xf32, #tpu.memory_space<hbm>> -> memref<1x64x128xf32, #tpu.memory_space<hbm>>
    %dma_wait3A_48 = tpu.memref_squeeze %dma_wait3A_47 : memref<1x64x128xf32, #tpu.memory_space<hbm>> -> memref<64x128xf32, #tpu.memory_space<hbm>>
    tpu.wait_dma2 semaphore(%arg13 : memref<!tpu.dma_semaphore, #tpu.memory_space<semaphore_mem>>) src(%arg10 : memref<64x128xf32, #tpu.memory_space<vmem>>) dst(%dma_wait3A_48 : memref<64x128xf32, #tpu.memory_space<hbm>>)
    return
  }
}

</mosaic_0001>

<sc_bundles>
// kernel: kernel.3.cloned.1.call-start
scs
__scs_entry_jumppad:
0x0: {  	(pc) =	sbr.rel $0x88, $3  }
0x1: {  	(tag) =	ssettag $0x0;
	lr =	simm.s32 $0x1  }
0x2: {  	[smem:$0x3F9E] =	sst lr;
	_ =	strace $0xD0000000  }
0x3: {  	_ = 	snop  }
0x4: {  	_ = 	snop  }
0x5: {  	_ = 	snop  }
0x6: {  	_ = 	snop  }
0x7: {  	_ = 	snop  }
__scs_overlays_trampoline_lowered:
0x8: {  	[smem:$0x3FAD] =	sst s0  }
0x9: {  	[smem:$0x3FAE] =	sst s1  }
0xa: {  	[smem:$0x3FAF] =	sst s2  }
0xb: {  	[smem:$0x3FB0] =	sst s3  }
0xc: {  	[smem:$0x3FB1] =	sst s4  }
0xd: {  	[smem:$0x3FB2] =	sst s5  }
0xe: {  	[smem:$0x3FB3] =	sst s6  }
0xf: {  	[smem:$0x3FB4] =	sst s7  }
0x10: {  	[smem:$0x3FB5] =	sst s8  }
0x11: {  	[smem:$0x3FB6] =	sst s9;
	s0 =	simm.s32 @!p0 $0x0  }
0x12: {  	s1 =	sld [smem:$0x3F9C];
	s0 =	simm.s32 @p0 $0x1  }
0x13: {  	[smem:$0x3FB7] =	sst s0;
	s0 =	simm.s32 @!p1 $0x0  }
0x14: {  	s2 =	sld [smem:$0x3F9B];
	s0 =	simm.s32 @p1 $0x1  }
0x15: {  	[smem:$0x3FB8] =	sst s0;
	s0 =	simm.s32 @!p2 $0x0  }
0x16: {  	s3 =	sld [smem:$0x3FDB];
	s0 =	simm.s32 @p2 $0x1  }
0x17: {  	s4 =	simm.s32 $0x1BF5;
	[smem:$0x3FBA] =	sst s0  }
0x18: {  	s0 =	sld [smem:$0x3F9D];
	_ =	swait.ge [sflag:s4], $0x0  }
0x19: {  	s7 =	sld [smem:$0x3F9E]  }
0x1a: {  	s8 =	sadd.s32 $0xFFFFE003, lr  }
0x1b: {  	s9 =	sadd.s32 $0xFFFFFEF7, lr;
	s5 =	simm.s32 $0xFFFFFFFF;
	p2 =	slt.u32 s8, $0xFFFFF086  }
0x1c: {  	p1 =	slt.u32 s9, $0xF7A;
	s5 =	simm.s32 @!p2 $0x0  }
0x1d: {  	s5 =	simm.s32 @p1 $0x1;
	p0 =	seq.s32 s7, s2  }
0x1e: {  	s7 =	smul.u32 @!p0 $0xF7A, s2;
	p2 =	seq.s32 @!p0 s5, $0x0  }
0x1f: {  	s9 =	smul.u32 $0xF7A, s1;
	s8 =	simm.s32 @!p0 $0x1BF5;
	p2 =	por !p2, p0  }
0x20: {  	[sflag:s8] =	ssyncset.s32 @!p0 $0xFFFFF086;
	s6 =	sadd.s32 @!p0 s3, s7;
	s7 =	simm.s32 @!p0 $0x108  }
0x21: {  	s3 =	sadd.s32 s3, s9;
	s6 =	sadd.s32 @!p0 $0x88, s6;
	s7 =	simm.s32 @p2 $0x1082  }
0x22: {  	[simem:s7], [sflag:s8] =	dma.local @!p0 [hbm:s6], $0xF7A  }
0x23: {  	s9 =	sor.u32 $0xD0000000, s2;
	s6 =	simm.s32 $0x108;
	_ =	swait.ge @!p0 [sflag:s8], $0x0  }
0x24: {  	s3 =	sadd.s32 $0x88, s3;
	s6 =	simm.s32 @!p1 $0x1082;
	[sflag:s4] =	ssyncset.s32 $0xFFFFF086  }
0x25: {  	[simem:s6], [sflag:s4] =	dma.local [hbm:s3], $0xF7A  }
0x26: {  	[smem:$0x3F9E] =	sst s1;
	(tag) =	ssettag s2;
	_ =	strace s9  }
0x27: {  	s1 =	sld [smem:$0x3FAE]  }
0x28: {  	s2 =	sld [smem:$0x3FAF]  }
0x29: {  	s4 =	sld [smem:$0x3FB1]  }
0x2a: {  	p0 =	seq.s32 s5, $0x0;
	s5 =	sld [smem:$0x3FB2]  }
0x2b: {  	s6 =	sld [smem:$0x3FB3]  }
0x2c: {  	s7 =	sld [smem:$0x3FB4]  }
0x2d: {  	s3 =	simm.s32 $0x108;
	s8 =	sld [smem:$0x3FB5]  }
0x2e: {  	s3 =	simm.s32 @!p0 $0x1082;
	s9 =	sld [smem:$0x3FB6]  }
0x2f: {  	lr =	sadd.s32 s0, s3;
	s0 =	sld [smem:$0x3FAD]  }
0x30: {  	s3 =	sld [smem:$0x3FB0]  }
0x31: {  	[smem:$0x3FB9] =	sst s10  }
0x32: {  	s10 =	sld [smem:$0x3FB7];
	_ =	sdelay $0x3  }
0x33: {  	p0 =	seq.s32 s10, $0x1;
	s10 =	sld [smem:$0x3FB9];
	_ =	sdelay $0x3  }
0x34: {  	[smem:$0x3FB9] =	sst s10  }
0x35: {  	s10 =	sld [smem:$0x3FB8];
	_ =	sdelay $0x3  }
0x36: {  	p1 =	seq.s32 s10, $0x1;
	s10 =	sld [smem:$0x3FB9];
	_ =	sdelay $0x3  }
0x37: {  	[smem:$0x3FB9] =	sst s10  }
0x38: {  	s10 =	sld [smem:$0x3FBA]  }
0x39: {  	_ = 	snop;
	(pc) =	sbr.ind lr, $3  }
0x3a: {  	_ = 	snop  }
0x3b: {  	_ = 	snop  }
0x3c: {  	p2 =	seq.s32 s10, $0x1;
	s10 =	sld [smem:$0x3FB9]  }
0x3d: {  	_ =	shalt  }
0x3e: {  	_ =	shalt  }
0x3f: {  	_ =	shalt  }
0x40: {  	_ =	shalt  }
0x41: {  	_ =	shalt  }
0x42: {  	_ =	shalt  }
0x43: {  	_ =	shalt  }
0x44: {  	_ =	shalt  }
0x45: {  	_ =	shalt  }
0x46: {  	_ =	shalt  }
0x47: {  	_ =	shalt  }
0x48: {  	_ =	shalt  }
0x49: {  	_ =	shalt  }
0x4a: {  	_ =	shalt  }
0x4b: {  	_ =	shalt  }
0x4c: {  	_ =	shalt  }
0x4d: {  	_ =	shalt  }
0x4e: {  	_ =	shalt  }
0x4f: {  	_ =	shalt  }
0x50: {  	_ =	shalt  }
0x51: {  	_ =	shalt  }
0x52: {  	_ =	shalt  }
0x53: {  	_ =	shalt  }
0x54: {  	_ =	shalt  }
0x55: {  	_ =	shalt  }
0x56: {  	_ =	shalt  }
0x57: {  	_ =	shalt  }
0x58: {  	_ =	shalt  }
0x59: {  	_ =	shalt  }
0x5a: {  	_ =	shalt  }
0x5b: {  	_ =	shalt  }
0x5c: {  	_ =	shalt  }
0x5d: {  	_ =	shalt  }
0x5e: {  	_ =	shalt  }
0x5f: {  	_ =	shalt  }
0x60: {  	_ =	shalt  }
0x61: {  	_ =	shalt  }
0x62: {  	_ =	shalt  }
0x63: {  	_ =	shalt  }
0x64: {  	_ =	shalt  }
0x65: {  	_ =	shalt  }
0x66: {  	_ =	shalt  }
0x67: {  	_ =	shalt  }
0x68: {  	_ =	shalt  }
0x69: {  	_ =	shalt  }
0x6a: {  	_ =	shalt  }
0x6b: {  	_ =	shalt  }
0x6c: {  	_ =	shalt  }
0x6d: {  	_ =	shalt  }
0x6e: {  	_ =	shalt  }
0x6f: {  	_ =	shalt  }
0x70: {  	_ =	shalt  }
0x71: {  	_ =	shalt  }
0x72: {  	_ =	shalt  }
0x73: {  	_ =	shalt  }
0x74: {  	_ =	shalt  }
0x75: {  	_ =	shalt  }
0x76: {  	_ =	shalt  }
0x77: {  	_ =	shalt  }
0x78: {  	_ =	shalt  }
0x79: {  	_ =	shalt  }
0x7a: {  	_ =	shalt  }
0x7b: {  	_ =	shalt  }
0x7c: {  	_ =	shalt  }
0x7d: {  	_ =	shalt  }
0x7e: {  	_ =	shalt  }
0x7f: {  	_ =	shalt  }
0x80: {  	_ =	shalt  }
0x81: {  	_ =	shalt  }
0x82: {  	_ =	shalt  }
0x83: {  	_ =	shalt  }
0x84: {  	_ =	shalt  }
0x85: {  	_ =	shalt  }
0x86: {  	_ =	shalt  }
0x87: {  	_ =	shalt  }
.Lfunc_end0:
.L_simem_size_0:
called_computation_lowered:
.L_overlay_start_0:
0x88: {  	s2 =	sld [smem:$0x3FD9]  }
0x89: {  	s3 =	sld [smem:$0x3FFE];
	_ =	sdelay $0x1  }
0x8a: {  	s1 =	srdreg.scid  }
0x8b: {  	s0 =	sand.u32 $0x1, s1  }
0x8c: {  	s17 =	sshll.u32 s0, $0xA;
	s2 =	sadd.s32 s3, s2  }
0x8d: {  	s2 =	sadd.s32 s2, s17  }
0x8e: {  	[smem:$0x3FC5] =	sst s2  }
0x8f: {  	_ = 	snop  }
0x90: {  	s2 =	sld [smem:$0x3FD0];
	(tm) =	ssettm $0x1  }
0x91: {  	s18 =	sld [smem:$0x3FFB];
	_ =	sdelay $0x3  }
0x92: {  	_ =	strace s18  }
0x93: {  	s3 =	sld [smem:$0x3FFC];
	_ =	sdelay $0x3  }
0x94: {  	_ =	strace s3  }
0x95: {  	s3 =	sld [smem:$0x3FFD];
	_ =	sdelay $0x3  }
0x96: {  	_ =	strace s3  }
0x97: {  	_ =	strace $0x8FFFFFFF  }
0x98: {  	s19 =	sld [smem:$0x3FDB];
	_ =	sdelay $0x1  }
0x99: {  	s4 =	simm.s32 $_scs_section_size  }
0x9a: {  	s5 =	simm.s32 $_size__tile_overlayer_lowered;
	s6 =	simm.s32 $_tile_overlayer_lowered  }
0x9b: {  	s22 =	simm.s32 $0x1BFF;
	s21 =	sshll.u32 s6, $0x1;
	s3 =	sadd.s32 s4, s19  }
0x9c: {  	s7 =	simm.s32 $0x0;
	s20 =	sshll.u32 s5, $0x1;
	s5 =	sadd.s32 s21, s3  }
0x9d: {  	[timem:s7], [sflag:s22] =	dma.local [hbm:s5], s20  }
0x9e: {  	_ =	swait.ge [sflag:s22], s20  }
0x9f: {  	s4 =	ssub.s32 $0x0, s20;
	[sflag:s22] =	ssyncset.done $0x0  }
0xa0: {  	[sflag:s22] =	ssyncadd.s32 s4;
	_ =	sdelay $0x1  }
0xa1: {  	s23 =	simm.s32 $0x1B8B  }
0xa2: {  	_ =	swait.ge [sflag:s23], $0x1  }
0xa3: {  	[sflag:s23] =	ssyncset.done $0x0  }
0xa4: {  	s25 =	simm.s32 $0x1B8E;
	s24 =	sld [smem:$0x3FFE];
	[sflag:s23] =	ssyncadd.s32 $0xFFFFFFFF  }
0xa5: {  	s26 =	simm.s32 $execute0_lowered;
	[smem:$0x3FD2] =	sst s25  }
0xa6: {  	s5 =	sshll.u32 s26, $0x1;
	_ =	strace $0x80000046;
	[dreg:$0x1] =	wrdreg $0xFFFFFFFF  }
0xa7: {  	s28 =	simm.s32 $_size_execute0_lowered;
	s3 =	sadd.s32 s3, s5;
	[dreg:$0x0] =	wrdreg $0x0  }
0xa8: {  	s5 =	sshll.u32 s28, $0x1;
	[dreg:$0x2] =	wrdreg s3  }
0xa9: {  	[dreg:$0x3] =	wrdreg s5  }
0xaa: {  	[dreg:$0x4] =	wrdreg $0xC0  }
0xab: {  	_ =	task [dreg:s7], $0x5FFFF  }
0xac: {  	[dreg:$0x1] =	wrdreg $0xFFFFFFFF  }
0xad: {  	[dreg:$0x0] =	wrdreg $0x60  }
0xae: {  	[dreg:$0x2] =	wrdreg s24  }
0xaf: {  	[dreg:$0x3] =	wrdreg s2  }
0xb0: {  	[dreg:$0x4] =	wrdreg $0x9  }
0xb1: {  	_ =	task.clear_ibuf [dreg:s7], $0x5FFFF;
	_ =	strace $0x90000046  }
0xb2: {  	s29 =	simm.s32 $0x9;
	_ =	strace $0x80000048  }
0xb3: {  	_ =	swait.ge [sflag:s29], $0x1  }
0xb4: {  	[sflag:s29] =	ssyncadd.s32 $0xFFFFFFFF  }
0xb5: {  	_ =	strace $0x90000048  }
0xb6: {  	_ =	sfence  }
0xb7: {  	s30 =	sld [smem:$0x0];
	_ =	sdelay $0x2  }
0xb8: {  	s31 =	sshll.u32 s1, $0xD;
	s1 =	sshrl.u32 s1, $0x2  }
0xb9: {  	s3 =	sand.u32 $0x4000, s31;
	s1 =	sadd.s32 s1, s30  }
0xba: {  	s0 =	sor.u32 s3, s0;
	s1 =	sshll.u32 s1, $0x11  }
0xbb: {  	s0 =	sor.u32 s1, s0  }
0xbc: {  	s0 =	sadd.s32 $0x8F2B, s0  }
0xbd: {  	[sflag:s0] =	ssyncadd.remote.s32 $0x1  }
0xbe: {  	_ =	sfence.sel $0xFFFF  }
0xbf: {  	[dreg:$0x0] =	wrdreg $0xFFFFFFFF;
	(pc) =	sbr.abs _section_cstart, $3  }
0xc0: {  	[dreg:$0x1] =	wrdreg $0xFFFFFFFF  }
0xc1: {  	_ =	task.clear_ibuf [dreg:s7], $0x2FFFF;
	_ =	strace $0x9FFFFFFF  }
0xc2: {  	(tm) =	ssettm $0x7FFFFFFF  }
0xc3: {  	_ =	shalt  }
tec
execute0_lowered:
.L_overlay_start_1:
0x0: {  	(tag) =	ssettag $0x1  }
0x1: {  	s1 =	srdreg.scid;
	s5 =	rddreg [dreg:$0x0]  }
0x2: {  	s0 =	stileid.u32;
	s2 =	rddreg [dreg:$0x1]  }
0x3: {  	s3 =	simm.s32 $0x0;
	s11 =	simm.s32 $0x3;
	s12 =	simm.s32 $0x12600  }
0x4: {  	s13 =	simm.s32 $0xA480;
	s14 =	simm.s32 $0x400;
	s15 =	simm.s32 $0x8000  }
0x5: {  	s16 =	simm.s32 $0xE600;
	s17 =	simm.s32 $0x10600;
	s18 =	simm.s32 $0x1  }
0x6: {  	s19 =	simm.s32 $0x2;
	s4 =	sand.u32 $0x1, s1;
	s1 =	rddreg [dreg:$0x2]  }
0x7: {  	v0 =	vimm.s32 $0x18500840;
	v2 =	vimm.s32 $0x58104800;
	s20 =	simm.s32 $0x0;
	s31 =	sshll.u32 s0, $0x1;
	[smem:$0x7FF] =	sst s3  }
0x8: {  	v3 =	vimm.s32 $0x78306820;
	v1 =	vunpack.c.0.s8.s32 v0;
	v0 =	vimm.s32 $0x38702860;
	s8 =	sor.u32 s4, s31;
	_ =	strace $0x80000047;
	s9 =	ssub.s32 $0x2, s4  }
0x9: {  	v2 =	vunpack.c.0.s8.s32 v2;
	v3 =	vunpack.c.0.s8.s32 v3;
	s4 =	sadd.s32 $0x19E00, s5;
	v4 =	vunpack.c.0.s8.s32 v0;
	s6 =	smul.u32 $0xC80, s8;
	s10 =	sshrl.u32 s9, $0x1  }
0xa: {  	vm0 =	vcmask $0x1F10;
	s7 =	sshll.u32 s8, $0xA;
	s8 =	sshll.u32 s8, $0x7;
	s10 =	ssub.s32 s9, s10  }
0xb: {  	v0 =	vlaneseq.u32;
	v2 =	vsel vm0, v3, v2;
	s8 =	sadd.s32 s2, s8;
	v4 =	vsel vm0, v4, v1;
	s6 =	sadd.s32 s6, s5;
	s5 =	sadd.s32 $0x400, s5  }
0xc: {  	v1 =	vmul.u32 $0xC8, v0;
	s9 =	sadd.s32 $0x8000, s8;
	s10 =	smax.u32 s10, $0x1;
	v2 =	vcombine.low v2, v4;
	s6 =	sadd.s32 $0xE00, s6  }
.LBB2_1:
0xd: {  	[tilespmem:s3], [sflag:$0x3] =	stream.linear.gather [hbm4b:s6+s3], $0x6400, $0x38;
	[tilespmem:$0x12680] =	vst v63  }
0xe: {  	_ =	swait.ge [sflag:s11], $0x6400  }
0xf: {  	[sflag:s11] =	ssyncset.done $0x0  }
0x10: {  	s21 =	simm.s32 $0x6400;
	[sflag:s11] =	ssyncadd.s32 $0xFFFF9C00  }
0x11: {  	[tilespmem:s21], [sflag:$0x3] =	stream.linear.gather [hbm4b:s5+s3], $0x4080, $0x38;
	[tilespmem:$0x12680] =	vst v63  }
0x12: {  	_ =	swait.ge [sflag:s11], $0x4080  }
0x13: {  	[sflag:s11] =	ssyncset.done $0x0  }
0x14: {  	[sflag:s11] =	ssyncadd.s32 $0xFFFFBF80  }
0x15: {  	[tilespmem:s12], [sflag:$0x3] =	stream.linear.gather [hbm4b:s4+s3], $0x80, $0x38;
	[tilespmem:$0x12680] =	vst v63  }
0x16: {  	s22 =	simm.s32 $0x0;
	_ =	swait.ge [sflag:s11], $0x80  }
0x17: {  	s22 =	smul.u32 $0x41, s22;
	[sflag:s11] =	ssyncset.done $0x0  }
0x18: {  	s23 =	sand.u32 $0x30, s3;
	[sflag:s11] =	ssyncadd.s32 $0xFFFFFF80  }
0x19: {  	s23 =	sadd.s32 s23, s22;
	v3 =	vld [tilespmem:$0x12600]  }
0x1a: {  	s22 =	simm.s32 $0x1;
	v5 =	vadd.s32 s23, v0;
	s23 =	simm.s32 $0x0;
	v4 =	vld [tilespmem:s21+$0x0]  }
.LBB2_2:
0x1b: {  	p0 =	sne.s32 s22, $0x403  }
.Ltmp0:
0x1c: {  	s24 =	sshrl.u32 s22, $0x2;
	s22 =	sadd.s32 $0x1, s22;
	(pc) =	sbr.rel @p0 .LBB2_2-.Ltmp0, $4  }
0x1d: {  	s23 =	sadd.s32 $0x10, s23;
	s24 =	smul.u32 $0x41, s24  }
0x1e: {  	s25 =	sand.u32 $0x30, s23  }
0x1f: {  	s21 =	sadd.s32 $0x10, s21;
	s24 =	sadd.s32 s25, s24;
	[tilespmem:v5+s13+$0x0] =	vst.idx.msk $0xffff, v4  }
0x20: {  	v5 =	vadd.s32 s24, v0;
	v4 =	vld [tilespmem:s21+$0x0]  }
0x21: {  	_ =	sdelay $0x3  }
0x22: {  	s21 =	simm.s32 $0x0;
	s22 =	simm.s32 $0xEA00;
	s23 =	simm.s32 $0x0;
	[tilespmem:v5+s13+$0x0] =	vst.idx.msk $0xffff, v4  }
.LBB2_4:
0x23: {  	s24 =	smul.u32 $0xC80, s23;
	_ =	sdelay $0x1  }
0x24: {  	v4 =	vadd.s32 s24, v1  }
0x25: {  	v4 =	vand.u32 $0xFF80, v4  }
0x26: {  	v4 =	vor.u32 v2, v4;
	_ =	sdelay $0x4  }
0x27: {  	v4 =	vld.idx.msk [tilespmem:v4+s21+$0x0], $0xffff;
	_ =	sdelay $0x4  }
0x28: {  	v4 =	vmul.u32 $0x41, v4;
	_ =	sdelay $0x1  }
0x29: {  	vm0 =	vgt.s32 v3, $0x0;
	v4 =	vadd.s32 $0x41, v4  }
0x2a: {  	s26 =	simm.s32 $0xF;
	v4 =	vnsel vm0, $0x0, v4  }
0x2b: {  	s25 =	simm.s32 $0x1;
	v5 =	vadd.s32 s26, v4  }
0x2c: {  	s29 =	simm.s32 $0x2;
	v6 =	vadd.s32 s25, v4  }
0x2d: {  	s30 =	simm.s32 $0x3;
	v7 =	vadd.s32 s29, v4  }
0x2e: {  	s31 =	simm.s32 $0x4;
	v8 =	vadd.s32 s30, v4  }
0x2f: {  	v9 =	vadd.s32 s31, v4;
	s25 =	simm.s32 $0x5  }
0x30: {  	s26 =	simm.s32 $0x6;
	v10 =	vadd.s32 s25, v4;
	v11 =	vld.idx.msk [tilespmem:v5+s13+$0x0], $0xffff  }
0x31: {  	s29 =	simm.s32 $0x7;
	v12 =	vld.idx.msk [tilespmem:v6+s13+$0x0], $0xffff;
	v5 =	vadd.s32 s26, v4  }
0x32: {  	s30 =	simm.s32 $0x8;
	v14 =	vld.idx.msk [tilespmem:v7+s13+$0x0], $0xffff;
	v7 =	vadd.s32 s29, v4  }
0x33: {  	s31 =	simm.s32 $0x9;
	v16 =	vld.idx.msk [tilespmem:v8+s13+$0x0], $0xffff;
	v8 =	vadd.s32 s30, v4  }
0x34: {  	s25 =	simm.s32 $0xA;
	v17 =	vld.idx.msk [tilespmem:v9+s13+$0x0], $0xffff;
	v9 =	vadd.s32 s31, v4  }
0x35: {  	s26 =	simm.s32 $0xB;
	v6 =	vld.idx.msk [tilespmem:v10+s13+$0x0], $0xffff;
	v10 =	vadd.s32 s25, v4  }
0x36: {  	s29 =	simm.s32 $0xC;
	v13 =	vadd.s32 s26, v4;
	v5 =	vld.idx.msk [tilespmem:v5+s13+$0x0], $0xffff;
	[tilespmem:s22+$0x380] =	vst v11  }
0x37: {  	s30 =	simm.s32 $0xD;
	v15 =	vadd.s32 s29, v4;
	[tilespmem:s22+$0xFFFFFC80] =	vst v12;
	v7 =	vld.idx.msk [tilespmem:v7+s13+$0x0], $0xffff  }
0x38: {  	s31 =	simm.s32 $0xE;
	[tilespmem:s22+$0xFFFFFD00] =	vst v14;
	v8 =	vld.idx.msk [tilespmem:v8+s13+$0x0], $0xffff;
	v12 =	vadd.s32 s30, v4  }
0x39: {  	s28 =	simm.s32 $0x1F;
	[tilespmem:s22+$0xFFFFFD80] =	vst v16;
	v9 =	vld.idx.msk [tilespmem:v9+s13+$0x0], $0xffff;
	v14 =	vadd.s32 s31, v4  }
0x3a: {  	s24 =	simm.s32 $0x10;
	s26 =	simm.s32 $0x20;
	s25 =	smov.u32 s22;
	v11 =	vadd.s32 s21, v4;
	[tilespmem:s22+$0xFFFFFE00] =	vst v17;
	v10 =	vld.idx.msk [tilespmem:v10+s13+$0x0], $0xffff  }
.LBB2_5:
0x3b: {  	p0 =	slt.u32 s26, $0x30;
	s29 =	sadd.s32 $0x1, s24;
	v16 =	vadd.s32 s28, v4;
	[tilespmem:s25+$0xFFFFFE80] =	vst v6;
	v6 =	vld.idx.msk [tilespmem:v13+s13+$0x0], $0xffff  }
0x3c: {  	s28 =	sadd.s32 $0x2, s24;
	v13 =	vadd.s32 s29, v4;
	[tilespmem:s25+$0xFFFFFF00] =	vst v5;
	v5 =	vld.idx.msk [tilespmem:v15+s13+$0x0], $0xffff  }
0x3d: {  	v15 =	vadd.s32 s28, v4;
	s28 =	sadd.s32 $0x3, s24;
	[tilespmem:s25+$0xFFFFFF80] =	vst v7;
	v7 =	vld.idx.msk [tilespmem:v12+s13+$0x0], $0xffff  }
0x3e: {  	v12 =	vadd.s32 s28, v4;
	s28 =	sadd.s32 $0x4, s24;
	[tilespmem:s25+$0x0] =	vst v8;
	v8 =	vld.idx.msk [tilespmem:v14+s13+$0x0], $0xffff  }
0x3f: {  	v14 =	vadd.s32 s28, v4;
	s28 =	sadd.s32 $0x5, s24;
	v11 =	vld.idx.msk [tilespmem:v11+s13+$0x0], $0xffff;
	[tilespmem:s25+$0x80] =	vst v9  }
0x40: {  	v9 =	vadd.s32 s28, v4;
	s28 =	sadd.s32 $0x6, s24;
	v16 =	vld.idx.msk [tilespmem:v16+s13+$0x0], $0xffff;
	[tilespmem:s25+$0x100] =	vst v10  }
0x41: {  	v10 =	vld.idx.msk [tilespmem:v13+s13+$0x0], $0xffff;
	v13 =	vadd.s32 s28, v4;
	s28 =	sadd.s32 $0x7, s24;
	[tilespmem:s25+$0x180] =	vst v6  }
0x42: {  	v17 =	vld.idx.msk [tilespmem:v15+s13+$0x0], $0xffff;
	v15 =	vadd.s32 s28, v4;
	s28 =	sadd.s32 $0x8, s24;
	[tilespmem:s25+$0x200] =	vst v5  }
0x43: {  	v18 =	vld.idx.msk [tilespmem:v12+s13+$0x0], $0xffff;
	v12 =	vadd.s32 s28, v4;
	s28 =	sadd.s32 $0x9, s24;
	[tilespmem:s25+$0x280] =	vst v7  }
0x44: {  	v19 =	vld.idx.msk [tilespmem:v14+s13+$0x0], $0xffff;
	v14 =	vadd.s32 s28, v4;
	s28 =	sadd.s32 $0xA, s24;
	[tilespmem:s25+$0x300] =	vst v8  }
0x45: {  	v6 =	vld.idx.msk [tilespmem:v9+s13+$0x0], $0xffff;
	v20 =	vadd.s32 s28, v4;
	s28 =	sadd.s32 $0xB, s24;
	[tilespmem:s25+$0xFFFFFC00] =	vst v11;
	s25 =	sadd.s32 $0x800, s25  }
.Ltmp1:
0x46: {  	v5 =	vld.idx.msk [tilespmem:v13+s13+$0x0], $0xffff;
	v13 =	vadd.s32 s28, v4;
	s28 =	sadd.s32 $0xC, s24;
	[tilespmem:s25+$0x380] =	vst v16;
	(pc) =	sbr.rel @p0 .LBB2_5-.Ltmp1, $4  }
0x47: {  	[tilespmem:s25+$0xFFFFFC80] =	vst v10;
	v7 =	vld.idx.msk [tilespmem:v15+s13+$0x0], $0xffff;
	v15 =	vadd.s32 s28, v4;
	s28 =	sadd.s32 $0xD, s24  }
0x48: {  	[tilespmem:s25+$0xFFFFFD00] =	vst v17;
	v8 =	vld.idx.msk [tilespmem:v12+s13+$0x0], $0xffff;
	v12 =	vadd.s32 s28, v4;
	s28 =	sadd.s32 $0xE, s24  }
0x49: {  	[tilespmem:s25+$0xFFFFFD80] =	vst v18;
	v9 =	vld.idx.msk [tilespmem:v14+s13+$0x0], $0xffff;
	v14 =	vadd.s32 s28, v4  }
0x4a: {  	v11 =	vadd.s32 s24, v4;
	s24 =	smov.u32 s26;
	s28 =	sadd.s32 $0xF, s26;
	s26 =	sadd.s32 $0x10, s26;
	[tilespmem:s25+$0xFFFFFE00] =	vst v19;
	v10 =	vld.idx.msk [tilespmem:v20+s13+$0x0], $0xffff  }
0x4b: {  	_ =	sdelay $0x2  }
0x4c: {  	[tilespmem:s25+$0xFFFFFE80] =	vst v6  }
0x4d: {  	s26 =	sadd.s32 $0x1, s24;
	v43 =	vadd.s32 s28, v4;
	v13 =	vld.idx.msk [tilespmem:v13+s13+$0x0], $0xffff;
	[tilespmem:s25+$0xFFFFFF00] =	vst v5  }
0x4e: {  	s31 =	sadd.s32 $0x2, s24;
	v15 =	vld.idx.msk [tilespmem:v15+s13+$0x0], $0xffff;
	v5 =	vadd.s32 s26, v4;
	[tilespmem:s25+$0xFFFFFF80] =	vst v7  }
0x4f: {  	s28 =	sadd.s32 $0x3, s24;
	v12 =	vld.idx.msk [tilespmem:v12+s13+$0x0], $0xffff;
	v44 =	vadd.s32 s31, v4;
	[tilespmem:s25+$0x0] =	vst v8  }
0x50: {  	s29 =	sadd.s32 $0x4, s24;
	v14 =	vld.idx.msk [tilespmem:v14+s13+$0x0], $0xffff;
	v45 =	vadd.s32 s28, v4;
	[tilespmem:s25+$0x80] =	vst v9  }
0x51: {  	s30 =	sadd.s32 $0x5, s24;
	v11 =	vld.idx.msk [tilespmem:v11+s13+$0x0], $0xffff;
	v46 =	vadd.s32 s29, v4;
	[tilespmem:s25+$0x100] =	vst v10  }
0x52: {  	v47 =	vadd.s32 s30, v4;
	s31 =	sadd.s32 $0x6, s24;
	v6 =	vld.idx.msk [tilespmem:v43+s13+$0x0], $0xffff;
	[tilespmem:s25+$0x180] =	vst v13  }
0x53: {  	s29 =	sadd.s32 $0x8, s24;
	v48 =	vadd.s32 s31, v4;
	[tilespmem:s25+$0x200] =	vst v15;
	v5 =	vld.idx.msk [tilespmem:v5+s13+$0x0], $0xffff  }
0x54: {  	s30 =	sadd.s32 $0x9, s24;
	v50 =	vadd.s32 s29, v4;
	[tilespmem:s25+$0x280] =	vst v12;
	v7 =	vld.idx.msk [tilespmem:v44+s13+$0x0], $0xffff  }
0x55: {  	v51 =	vadd.s32 s30, v4;
	s31 =	sadd.s32 $0xA, s24;
	[tilespmem:s25+$0x300] =	vst v14;
	v8 =	vld.idx.msk [tilespmem:v45+s13+$0x0], $0xffff  }
0x56: {  	s28 =	sadd.s32 $0x7, s24;
	v52 =	vadd.s32 s31, v4;
	[tilespmem:s25+$0xFFFFFC00] =	vst v11;
	s25 =	sadd.s32 $0x800, s25;
	v9 =	vld.idx.msk [tilespmem:v46+s13+$0x0], $0xffff  }
0x57: {  	v49 =	vadd.s32 s28, v4;
	s28 =	sadd.s32 $0xB, s24;
	v10 =	vld.idx.msk [tilespmem:v47+s13+$0x0], $0xffff;
	[tilespmem:s25+$0x380] =	vst v6  }
0x58: {  	s29 =	sadd.s32 $0xC, s24;
	v54 =	vadd.s32 s28, v4;
	v53 =	vld.idx.msk [tilespmem:v48+s13+$0x0], $0xffff;
	[tilespmem:s25+$0xFFFFFC80] =	vst v5  }
0x59: {  	v55 =	vadd.s32 s29, v4;
	s31 =	sadd.s32 $0xE, s24;
	v56 =	vld.idx.msk [tilespmem:v50+s13+$0x0], $0xffff;
	[tilespmem:s25+$0xFFFFFD00] =	vst v7  }
0x5a: {  	s30 =	sadd.s32 $0xD, s24;
	v59 =	vadd.s32 s31, v4;
	v58 =	vld.idx.msk [tilespmem:v51+s13+$0x0], $0xffff;
	[tilespmem:s25+$0xFFFFFD80] =	vst v8  }
0x5b: {  	v57 =	vadd.s32 s30, v4;
	v4 =	vadd.s32 s24, v4;
	v60 =	vld.idx.msk [tilespmem:v52+s13+$0x0], $0xffff;
	[tilespmem:s25+$0xFFFFFE00] =	vst v9  }
0x5c: {  	v5 =	vld.idx.msk [tilespmem:v49+s13+$0x0], $0xffff;
	[tilespmem:s25+$0xFFFFFE80] =	vst v10  }
0x5d: {  	v61 =	vld.idx.msk [tilespmem:v54+s13+$0x0], $0xffff;
	[tilespmem:s25+$0xFFFFFF00] =	vst v53  }
0x5e: {  	v62 =	vld.idx.msk [tilespmem:v55+s13+$0x0], $0xffff;
	[tilespmem:s25+$0x0] =	vst v56  }
0x5f: {  	v63 =	vld.idx.msk [tilespmem:v59+s13+$0x0], $0xffff;
	[tilespmem:s25+$0x80] =	vst v58  }
0x60: {  	s23 =	sadd.s32 $0x1, s23;
	v4 =	vld.idx.msk [tilespmem:v4+s13+$0x0], $0xffff;
	[tilespmem:s25+$0x100] =	vst v60  }
0x61: {  	p0 =	sne.s32 s23, $0x8;
	[tilespmem:s25+$0xFFFFFF80] =	vst v5;
	v5 =	vld.idx.msk [tilespmem:v57+s13+$0x0], $0xffff  }
.Ltmp2:
0x62: {  	[tilespmem:s25+$0x180] =	vst v61;
	(pc) =	sbr.rel @p0 .LBB2_4-.Ltmp2, $4  }
0x63: {  	[tilespmem:s25+$0x200] =	vst v62  }
0x64: {  	[tilespmem:s25+$0x300] =	vst v63  }
0x65: {  	[tilespmem:s25+$0xFFFFFC00] =	vst v4  }
0x66: {  	s22 =	sadd.s32 $0x10, s22;
	[tilespmem:s25+$0x280] =	vst v5  }
0x67: {  	[hbm4b:s8+s14] =	stream.strided.scatter [tilespmem:s16], [sflag:$0x1], $0x2000, s15, s14, $0x38;
	[tilespmem:$0x12680] =	vst v63  }
0x68: {  	s21 =	simm.s32 $0x0;
	s22 =	simm.s32 $0x10A00;
	vm0 =	vgt.s32 v3, $0x1;
	s23 =	simm.s32 $0x0  }
.LBB2_8:
0x69: {  	s24 =	smul.u32 $0xC80, s23;
	_ =	sdelay $0x1  }
0x6a: {  	s24 =	sor.u32 $0x1, s24  }
0x6b: {  	v4 =	vadd.s32 s24, v1;
	_ =	sdelay $0x4  }
0x6c: {  	v4 =	vld.idx.msk [tilespmem:v4+s21+$0x0], $0xffff;
	_ =	sdelay $0x4  }
0x6d: {  	v4 =	vmul.u32 $0x41, v4;
	_ =	sdelay $0x1  }
0x6e: {  	v4 =	vadd.s32 $0x41, v4  }
0x6f: {  	s26 =	simm.s32 $0xF;
	v4 =	vnsel vm0, $0x0, v4  }
0x70: {  	s25 =	simm.s32 $0x1;
	v5 =	vadd.s32 s26, v4  }
0x71: {  	s29 =	simm.s32 $0x2;
	v6 =	vadd.s32 s25, v4  }
0x72: {  	s30 =	simm.s32 $0x3;
	v7 =	vadd.s32 s29, v4  }
0x73: {  	s31 =	simm.s32 $0x4;
	v8 =	vadd.s32 s30, v4  }
0x74: {  	v9 =	vadd.s32 s31, v4;
	s25 =	simm.s32 $0x5  }
0x75: {  	s26 =	simm.s32 $0x6;
	v10 =	vadd.s32 s25, v4;
	v11 =	vld.idx.msk [tilespmem:v5+s13+$0x0], $0xffff  }
0x76: {  	s29 =	simm.s32 $0x7;
	v12 =	vld.idx.msk [tilespmem:v6+s13+$0x0], $0xffff;
	v5 =	vadd.s32 s26, v4  }
0x77: {  	s30 =	simm.s32 $0x8;
	v14 =	vld.idx.msk [tilespmem:v7+s13+$0x0], $0xffff;
	v7 =	vadd.s32 s29, v4  }
0x78: {  	s31 =	simm.s32 $0x9;
	v16 =	vld.idx.msk [tilespmem:v8+s13+$0x0], $0xffff;
	v8 =	vadd.s32 s30, v4  }
0x79: {  	s25 =	simm.s32 $0xA;
	v17 =	vld.idx.msk [tilespmem:v9+s13+$0x0], $0xffff;
	v9 =	vadd.s32 s31, v4  }
0x7a: {  	s26 =	simm.s32 $0xB;
	v6 =	vld.idx.msk [tilespmem:v10+s13+$0x0], $0xffff;
	v10 =	vadd.s32 s25, v4  }
0x7b: {  	s29 =	simm.s32 $0xC;
	v13 =	vadd.s32 s26, v4;
	v5 =	vld.idx.msk [tilespmem:v5+s13+$0x0], $0xffff;
	[tilespmem:s22+$0x380] =	vst v11  }
0x7c: {  	s30 =	simm.s32 $0xD;
	v15 =	vadd.s32 s29, v4;
	[tilespmem:s22+$0xFFFFFC80] =	vst v12;
	v7 =	vld.idx.msk [tilespmem:v7+s13+$0x0], $0xffff  }
0x7d: {  	s31 =	simm.s32 $0xE;
	[tilespmem:s22+$0xFFFFFD00] =	vst v14;
	v8 =	vld.idx.msk [tilespmem:v8+s13+$0x0], $0xffff;
	v12 =	vadd.s32 s30, v4  }
0x7e: {  	s28 =	simm.s32 $0x1F;
	[tilespmem:s22+$0xFFFFFD80] =	vst v16;
	v9 =	vld.idx.msk [tilespmem:v9+s13+$0x0], $0xffff;
	v14 =	vadd.s32 s31, v4  }
0x7f: {  	s24 =	simm.s32 $0x10;
	s26 =	simm.s32 $0x20;
	s25 =	smov.u32 s22;
	v11 =	vadd.s32 s21, v4;
	[tilespmem:s22+$0xFFFFFE00] =	vst v17;
	v10 =	vld.idx.msk [tilespmem:v10+s13+$0x0], $0xffff  }
.LBB2_9:
0x80: {  	p0 =	slt.u32 s26, $0x30;
	s29 =	sadd.s32 $0x1, s24;
	v16 =	vadd.s32 s28, v4;
	[tilespmem:s25+$0xFFFFFE80] =	vst v6;
	v6 =	vld.idx.msk [tilespmem:v13+s13+$0x0], $0xffff  }
0x81: {  	s28 =	sadd.s32 $0x2, s24;
	v13 =	vadd.s32 s29, v4;
	[tilespmem:s25+$0xFFFFFF00] =	vst v5;
	v5 =	vld.idx.msk [tilespmem:v15+s13+$0x0], $0xffff  }
0x82: {  	v15 =	vadd.s32 s28, v4;
	s28 =	sadd.s32 $0x3, s24;
	[tilespmem:s25+$0xFFFFFF80] =	vst v7;
	v7 =	vld.idx.msk [tilespmem:v12+s13+$0x0], $0xffff  }
0x83: {  	v12 =	vadd.s32 s28, v4;
	s28 =	sadd.s32 $0x4, s24;
	[tilespmem:s25+$0x0] =	vst v8;
	v8 =	vld.idx.msk [tilespmem:v14+s13+$0x0], $0xffff  }
0x84: {  	v14 =	vadd.s32 s28, v4;
	s28 =	sadd.s32 $0x5, s24;
	v11 =	vld.idx.msk [tilespmem:v11+s13+$0x0], $0xffff;
	[tilespmem:s25+$0x80] =	vst v9  }
0x85: {  	v9 =	vadd.s32 s28, v4;
	s28 =	sadd.s32 $0x6, s24;
	v16 =	vld.idx.msk [tilespmem:v16+s13+$0x0], $0xffff;
	[tilespmem:s25+$0x100] =	vst v10  }
0x86: {  	v10 =	vld.idx.msk [tilespmem:v13+s13+$0x0], $0xffff;
	v13 =	vadd.s32 s28, v4;
	s28 =	sadd.s32 $0x7, s24;
	[tilespmem:s25+$0x180] =	vst v6  }
0x87: {  	v17 =	vld.idx.msk [tilespmem:v15+s13+$0x0], $0xffff;
	v15 =	vadd.s32 s28, v4;
	s28 =	sadd.s32 $0x8, s24;
	[tilespmem:s25+$0x200] =	vst v5  }
0x88: {  	v18 =	vld.idx.msk [tilespmem:v12+s13+$0x0], $0xffff;
	v12 =	vadd.s32 s28, v4;
	s28 =	sadd.s32 $0x9, s24;
	[tilespmem:s25+$0x280] =	vst v7  }
0x89: {  	v19 =	vld.idx.msk [tilespmem:v14+s13+$0x0], $0xffff;
	v14 =	vadd.s32 s28, v4;
	s28 =	sadd.s32 $0xA, s24;
	[tilespmem:s25+$0x300] =	vst v8  }
0x8a: {  	v6 =	vld.idx.msk [tilespmem:v9+s13+$0x0], $0xffff;
	v20 =	vadd.s32 s28, v4;
	s28 =	sadd.s32 $0xB, s24;
	[tilespmem:s25+$0xFFFFFC00] =	vst v11;
	s25 =	sadd.s32 $0x800, s25  }
.Ltmp3:
0x8b: {  	v5 =	vld.idx.msk [tilespmem:v13+s13+$0x0], $0xffff;
	v13 =	vadd.s32 s28, v4;
	s28 =	sadd.s32 $0xC, s24;
	[tilespmem:s25+$0x380] =	vst v16;
	(pc) =	sbr.rel @p0 .LBB2_9-.Ltmp3, $4  }
0x8c: {  	[tilespmem:s25+$0xFFFFFC80] =	vst v10;
	v7 =	vld.idx.msk [tilespmem:v15+s13+$0x0], $0xffff;
	v15 =	vadd.s32 s28, v4;
	s28 =	sadd.s32 $0xD, s24  }
0x8d: {  	[tilespmem:s25+$0xFFFFFD00] =	vst v17;
	v8 =	vld.idx.msk [tilespmem:v12+s13+$0x0], $0xffff;
	v12 =	vadd.s32 s28, v4;
	s28 =	sadd.s32 $0xE, s24  }
0x8e: {  	[tilespmem:s25+$0xFFFFFD80] =	vst v18;
	v9 =	vld.idx.msk [tilespmem:v14+s13+$0x0], $0xffff;
	v14 =	vadd.s32 s28, v4  }
0x8f: {  	v11 =	vadd.s32 s24, v4;
	s24 =	smov.u32 s26;
	s28 =	sadd.s32 $0xF, s26;
	s26 =	sadd.s32 $0x10, s26;
	[tilespmem:s25+$0xFFFFFE00] =	vst v19;
	v10 =	vld.idx.msk [tilespmem:v20+s13+$0x0], $0xffff  }
0x90: {  	_ =	sdelay $0x2  }
0x91: {  	[tilespmem:s25+$0xFFFFFE80] =	vst v6  }
0x92: {  	s26 =	sadd.s32 $0x1, s24;
	v43 =	vadd.s32 s28, v4;
	v13 =	vld.idx.msk [tilespmem:v13+s13+$0x0], $0xffff;
	[tilespmem:s25+$0xFFFFFF00] =	vst v5  }
0x93: {  	s31 =	sadd.s32 $0x2, s24;
	v15 =	vld.idx.msk [tilespmem:v15+s13+$0x0], $0xffff;
	v5 =	vadd.s32 s26, v4;
	[tilespmem:s25+$0xFFFFFF80] =	vst v7  }
0x94: {  	s28 =	sadd.s32 $0x3, s24;
	v12 =	vld.idx.msk [tilespmem:v12+s13+$0x0], $0xffff;
	v44 =	vadd.s32 s31, v4;
	[tilespmem:s25+$0x0] =	vst v8  }
0x95: {  	s29 =	sadd.s32 $0x4, s24;
	v14 =	vld.idx.msk [tilespmem:v14+s13+$0x0], $0xffff;
	v45 =	vadd.s32 s28, v4;
	[tilespmem:s25+$0x80] =	vst v9  }
0x96: {  	s30 =	sadd.s32 $0x5, s24;
	v11 =	vld.idx.msk [tilespmem:v11+s13+$0x0], $0xffff;
	v46 =	vadd.s32 s29, v4;
	[tilespmem:s25+$0x100] =	vst v10  }
0x97: {  	v47 =	vadd.s32 s30, v4;
	s31 =	sadd.s32 $0x6, s24;
	v6 =	vld.idx.msk [tilespmem:v43+s13+$0x0], $0xffff;
	[tilespmem:s25+$0x180] =	vst v13  }
0x98: {  	s29 =	sadd.s32 $0x8, s24;
	v48 =	vadd.s32 s31, v4;
	[tilespmem:s25+$0x200] =	vst v15;
	v5 =	vld.idx.msk [tilespmem:v5+s13+$0x0], $0xffff  }
0x99: {  	s30 =	sadd.s32 $0x9, s24;
	v50 =	vadd.s32 s29, v4;
	[tilespmem:s25+$0x280] =	vst v12;
	v7 =	vld.idx.msk [tilespmem:v44+s13+$0x0], $0xffff  }
0x9a: {  	v51 =	vadd.s32 s30, v4;
	s31 =	sadd.s32 $0xA, s24;
	[tilespmem:s25+$0x300] =	vst v14;
	v8 =	vld.idx.msk [tilespmem:v45+s13+$0x0], $0xffff  }
0x9b: {  	s28 =	sadd.s32 $0x7, s24;
	v52 =	vadd.s32 s31, v4;
	[tilespmem:s25+$0xFFFFFC00] =	vst v11;
	s25 =	sadd.s32 $0x800, s25;
	v9 =	vld.idx.msk [tilespmem:v46+s13+$0x0], $0xffff  }
0x9c: {  	v49 =	vadd.s32 s28, v4;
	s28 =	sadd.s32 $0xB, s24;
	v10 =	vld.idx.msk [tilespmem:v47+s13+$0x0], $0xffff;
	[tilespmem:s25+$0x380] =	vst v6  }
0x9d: {  	s29 =	sadd.s32 $0xC, s24;
	v54 =	vadd.s32 s28, v4;
	v53 =	vld.idx.msk [tilespmem:v48+s13+$0x0], $0xffff;
	[tilespmem:s25+$0xFFFFFC80] =	vst v5  }
0x9e: {  	v55 =	vadd.s32 s29, v4;
	s31 =	sadd.s32 $0xE, s24;
	v56 =	vld.idx.msk [tilespmem:v50+s13+$0x0], $0xffff;
	[tilespmem:s25+$0xFFFFFD00] =	vst v7  }
0x9f: {  	s30 =	sadd.s32 $0xD, s24;
	v59 =	vadd.s32 s31, v4;
	v58 =	vld.idx.msk [tilespmem:v51+s13+$0x0], $0xffff;
	[tilespmem:s25+$0xFFFFFD80] =	vst v8  }
0xa0: {  	v57 =	vadd.s32 s30, v4;
	v4 =	vadd.s32 s24, v4;
	v60 =	vld.idx.msk [tilespmem:v52+s13+$0x0], $0xffff;
	[tilespmem:s25+$0xFFFFFE00] =	vst v9  }
0xa1: {  	v5 =	vld.idx.msk [tilespmem:v49+s13+$0x0], $0xffff;
	[tilespmem:s25+$0xFFFFFE80] =	vst v10  }
0xa2: {  	v61 =	vld.idx.msk [tilespmem:v54+s13+$0x0], $0xffff;
	[tilespmem:s25+$0xFFFFFF00] =	vst v53  }
0xa3: {  	v62 =	vld.idx.msk [tilespmem:v55+s13+$0x0], $0xffff;
	[tilespmem:s25+$0x0] =	vst v56  }
0xa4: {  	v63 =	vld.idx.msk [tilespmem:v59+s13+$0x0], $0xffff;
	[tilespmem:s25+$0x80] =	vst v58  }
0xa5: {  	s23 =	sadd.s32 $0x1, s23;
	v4 =	vld.idx.msk [tilespmem:v4+s13+$0x0], $0xffff;
	[tilespmem:s25+$0x100] =	vst v60  }
0xa6: {  	p0 =	sne.s32 s23, $0x8;
	[tilespmem:s25+$0xFFFFFF80] =	vst v5;
	v5 =	vld.idx.msk [tilespmem:v57+s13+$0x0], $0xffff  }
.Ltmp4:
0xa7: {  	[tilespmem:s25+$0x180] =	vst v61;
	(pc) =	sbr.rel @p0 .LBB2_8-.Ltmp4, $4  }
0xa8: {  	[tilespmem:s25+$0x200] =	vst v62  }
0xa9: {  	[tilespmem:s25+$0x300] =	vst v63  }
0xaa: {  	[tilespmem:s25+$0xFFFFFC00] =	vst v4  }
0xab: {  	s22 =	sadd.s32 $0x10, s22;
	[tilespmem:s25+$0x280] =	vst v5  }
0xac: {  	[hbm4b:s9+s14] =	stream.strided.scatter [tilespmem:s17], [sflag:$0x2], $0x2000, s15, s14, $0x38;
	[tilespmem:$0x12680] =	vst v63  }
0xad: {  	s21 =	simm.s32 $0x1  }
.LBB2_12:
0xae: {  	_ =	swait.ge [sflag:s18], $0x2000;
	s22 =	sshll.u32 s21, $0x1  }
0xaf: {  	s23 =	simm.s32 $0x0;
	[sflag:s18] =	ssyncset.done $0x0;
	v4 =	vmov s22  }
0xb0: {  	s24 =	simm.s32 $0xEA00;
	s25 =	simm.s32 $0x0;
	[sflag:s18] =	ssyncadd.s32 $0xFFFFE000;
	vm0 =	vlt.s32 v4, v3  }
.LBB2_13:
0xb1: {  	s26 =	smul.u32 $0xC80, s25;
	_ =	sdelay $0x1  }
0xb2: {  	s26 =	sadd.s32 s22, s26  }
0xb3: {  	v4 =	vadd.s32 s26, v1;
	_ =	sdelay $0x4  }
0xb4: {  	v4 =	vld.idx.msk [tilespmem:v4+s23+$0x0], $0xffff;
	_ =	sdelay $0x4  }
0xb5: {  	v4 =	vmul.u32 $0x41, v4;
	_ =	sdelay $0x1  }
0xb6: {  	v4 =	vadd.s32 $0x41, v4  }
0xb7: {  	s31 =	simm.s32 $0xF;
	v4 =	vnsel vm0, $0x0, v4  }
0xb8: {  	s28 =	simm.s32 $0x1;
	v5 =	vadd.s32 s31, v4  }
0xb9: {  	v6 =	vadd.s32 s28, v4;
	s31 =	simm.s32 $0x2  }
0xba: {  	v7 =	vadd.s32 s31, v4;
	s31 =	simm.s32 $0x3  }
0xbb: {  	v8 =	vadd.s32 s31, v4;
	s31 =	simm.s32 $0x4  }
0xbc: {  	v9 =	vadd.s32 s31, v4;
	s31 =	simm.s32 $0x5  }
0xbd: {  	v10 =	vadd.s32 s31, v4;
	s31 =	simm.s32 $0x6;
	v11 =	vld.idx.msk [tilespmem:v5+s13+$0x0], $0xffff  }
0xbe: {  	v12 =	vld.idx.msk [tilespmem:v6+s13+$0x0], $0xffff;
	v5 =	vadd.s32 s31, v4;
	s31 =	simm.s32 $0x7  }
0xbf: {  	v14 =	vld.idx.msk [tilespmem:v7+s13+$0x0], $0xffff;
	v7 =	vadd.s32 s31, v4;
	s31 =	simm.s32 $0x8  }
0xc0: {  	v16 =	vld.idx.msk [tilespmem:v8+s13+$0x0], $0xffff;
	v8 =	vadd.s32 s31, v4;
	s31 =	simm.s32 $0x9  }
0xc1: {  	v17 =	vld.idx.msk [tilespmem:v9+s13+$0x0], $0xffff;
	v9 =	vadd.s32 s31, v4;
	s31 =	simm.s32 $0xA  }
0xc2: {  	v6 =	vld.idx.msk [tilespmem:v10+s13+$0x0], $0xffff;
	v10 =	vadd.s32 s31, v4;
	s31 =	simm.s32 $0xB  }
0xc3: {  	v5 =	vld.idx.msk [tilespmem:v5+s13+$0x0], $0xffff;
	[tilespmem:s24+$0x380] =	vst v11;
	v13 =	vadd.s32 s31, v4;
	s31 =	simm.s32 $0xC  }
0xc4: {  	s28 =	simm.s32 $0xD;
	[tilespmem:s24+$0xFFFFFC80] =	vst v12;
	v7 =	vld.idx.msk [tilespmem:v7+s13+$0x0], $0xffff;
	v15 =	vadd.s32 s31, v4  }
0xc5: {  	v12 =	vadd.s32 s28, v4;
	s28 =	simm.s32 $0xE;
	[tilespmem:s24+$0xFFFFFD00] =	vst v14;
	v8 =	vld.idx.msk [tilespmem:v8+s13+$0x0], $0xffff  }
0xc6: {  	s30 =	simm.s32 $0x1F;
	v14 =	vadd.s32 s28, v4;
	[tilespmem:s24+$0xFFFFFD80] =	vst v16;
	v9 =	vld.idx.msk [tilespmem:v9+s13+$0x0], $0xffff  }
0xc7: {  	s29 =	simm.s32 $0x20;
	s26 =	simm.s32 $0x10;
	v11 =	vadd.s32 s23, v4;
	s28 =	smov.u32 s24;
	[tilespmem:s24+$0xFFFFFE00] =	vst v17;
	v10 =	vld.idx.msk [tilespmem:v10+s13+$0x0], $0xffff  }
.LBB2_14:
0xc8: {  	p0 =	slt.u32 s29, $0x30;
	s31 =	sadd.s32 $0x1, s26;
	v16 =	vadd.s32 s30, v4;
	[tilespmem:s28+$0xFFFFFE80] =	vst v6;
	v6 =	vld.idx.msk [tilespmem:v13+s13+$0x0], $0xffff  }
0xc9: {  	s30 =	sadd.s32 $0x2, s26;
	v13 =	vadd.s32 s31, v4;
	[tilespmem:s28+$0xFFFFFF00] =	vst v5;
	v5 =	vld.idx.msk [tilespmem:v15+s13+$0x0], $0xffff  }
0xca: {  	v15 =	vadd.s32 s30, v4;
	s30 =	sadd.s32 $0x3, s26;
	[tilespmem:s28+$0xFFFFFF80] =	vst v7;
	v7 =	vld.idx.msk [tilespmem:v12+s13+$0x0], $0xffff  }
0xcb: {  	v12 =	vadd.s32 s30, v4;
	s30 =	sadd.s32 $0x4, s26;
	[tilespmem:s28+$0x0] =	vst v8;
	v8 =	vld.idx.msk [tilespmem:v14+s13+$0x0], $0xffff  }
0xcc: {  	v14 =	vadd.s32 s30, v4;
	s30 =	sadd.s32 $0x5, s26;
	v11 =	vld.idx.msk [tilespmem:v11+s13+$0x0], $0xffff;
	[tilespmem:s28+$0x80] =	vst v9  }
0xcd: {  	v9 =	vadd.s32 s30, v4;
	s30 =	sadd.s32 $0x6, s26;
	v16 =	vld.idx.msk [tilespmem:v16+s13+$0x0], $0xffff;
	[tilespmem:s28+$0x100] =	vst v10  }
0xce: {  	v10 =	vld.idx.msk [tilespmem:v13+s13+$0x0], $0xffff;
	v13 =	vadd.s32 s30, v4;
	s30 =	sadd.s32 $0x7, s26;
	[tilespmem:s28+$0x180] =	vst v6  }
0xcf: {  	v17 =	vld.idx.msk [tilespmem:v15+s13+$0x0], $0xffff;
	v15 =	vadd.s32 s30, v4;
	s30 =	sadd.s32 $0x8, s26;
	[tilespmem:s28+$0x200] =	vst v5  }
0xd0: {  	v18 =	vld.idx.msk [tilespmem:v12+s13+$0x0], $0xffff;
	v12 =	vadd.s32 s30, v4;
	s30 =	sadd.s32 $0x9, s26;
	[tilespmem:s28+$0x280] =	vst v7  }
0xd1: {  	v19 =	vld.idx.msk [tilespmem:v14+s13+$0x0], $0xffff;
	v14 =	vadd.s32 s30, v4;
	s30 =	sadd.s32 $0xA, s26;
	[tilespmem:s28+$0x300] =	vst v8  }
0xd2: {  	v6 =	vld.idx.msk [tilespmem:v9+s13+$0x0], $0xffff;
	v20 =	vadd.s32 s30, v4;
	s30 =	sadd.s32 $0xB, s26;
	[tilespmem:s28+$0xFFFFFC00] =	vst v11;
	s28 =	sadd.s32 $0x800, s28  }
.Ltmp5:
0xd3: {  	v5 =	vld.idx.msk [tilespmem:v13+s13+$0x0], $0xffff;
	v13 =	vadd.s32 s30, v4;
	s30 =	sadd.s32 $0xC, s26;
	[tilespmem:s28+$0x380] =	vst v16;
	(pc) =	sbr.rel @p0 .LBB2_14-.Ltmp5, $4  }
0xd4: {  	[tilespmem:s28+$0xFFFFFC80] =	vst v10;
	v7 =	vld.idx.msk [tilespmem:v15+s13+$0x0], $0xffff;
	v15 =	vadd.s32 s30, v4;
	s30 =	sadd.s32 $0xD, s26  }
0xd5: {  	[tilespmem:s28+$0xFFFFFD00] =	vst v17;
	v8 =	vld.idx.msk [tilespmem:v12+s13+$0x0], $0xffff;
	v12 =	vadd.s32 s30, v4;
	s30 =	sadd.s32 $0xE, s26  }
0xd6: {  	[tilespmem:s28+$0xFFFFFD80] =	vst v18;
	v9 =	vld.idx.msk [tilespmem:v14+s13+$0x0], $0xffff;
	v14 =	vadd.s32 s30, v4  }
0xd7: {  	v11 =	vadd.s32 s26, v4;
	s26 =	smov.u32 s29;
	s30 =	sadd.s32 $0xF, s29;
	s29 =	sadd.s32 $0x10, s29;
	[tilespmem:s28+$0xFFFFFE00] =	vst v19;
	v10 =	vld.idx.msk [tilespmem:v20+s13+$0x0], $0xffff  }
0xd8: {  	_ =	sdelay $0x2  }
0xd9: {  	[tilespmem:s28+$0xFFFFFE80] =	vst v6  }
0xda: {  	s29 =	sadd.s32 $0x1, s26;
	v43 =	vadd.s32 s30, v4;
	v13 =	vld.idx.msk [tilespmem:v13+s13+$0x0], $0xffff;
	[tilespmem:s28+$0xFFFFFF00] =	vst v5  }
0xdb: {  	s31 =	sadd.s32 $0x2, s26;
	v15 =	vld.idx.msk [tilespmem:v15+s13+$0x0], $0xffff;
	v5 =	vadd.s32 s29, v4;
	[tilespmem:s28+$0xFFFFFF80] =	vst v7  }
0xdc: {  	s30 =	sadd.s32 $0x3, s26;
	v12 =	vld.idx.msk [tilespmem:v12+s13+$0x0], $0xffff;
	v44 =	vadd.s32 s31, v4;
	[tilespmem:s28+$0x0] =	vst v8  }
0xdd: {  	v14 =	vld.idx.msk [tilespmem:v14+s13+$0x0], $0xffff;
	v45 =	vadd.s32 s30, v4;
	s31 =	sadd.s32 $0x4, s26;
	[tilespmem:s28+$0x80] =	vst v9  }
0xde: {  	v11 =	vld.idx.msk [tilespmem:v11+s13+$0x0], $0xffff;
	s30 =	sadd.s32 $0x5, s26;
	v46 =	vadd.s32 s31, v4;
	[tilespmem:s28+$0x100] =	vst v10  }
0xdf: {  	v47 =	vadd.s32 s30, v4;
	s31 =	sadd.s32 $0x6, s26;
	v6 =	vld.idx.msk [tilespmem:v43+s13+$0x0], $0xffff;
	[tilespmem:s28+$0x180] =	vst v13  }
0xe0: {  	s30 =	sadd.s32 $0x7, s26;
	v48 =	vadd.s32 s31, v4;
	s31 =	sadd.s32 $0x8, s26;
	[tilespmem:s28+$0x200] =	vst v15;
	v5 =	vld.idx.msk [tilespmem:v5+s13+$0x0], $0xffff  }
0xe1: {  	v49 =	vadd.s32 s30, v4;
	s30 =	sadd.s32 $0x9, s26;
	v50 =	vadd.s32 s31, v4;
	[tilespmem:s28+$0x280] =	vst v12;
	v7 =	vld.idx.msk [tilespmem:v44+s13+$0x0], $0xffff  }
0xe2: {  	v51 =	vadd.s32 s30, v4;
	s31 =	sadd.s32 $0xA, s26;
	[tilespmem:s28+$0x300] =	vst v14;
	v8 =	vld.idx.msk [tilespmem:v45+s13+$0x0], $0xffff  }
0xe3: {  	[tilespmem:s28+$0xFFFFFC00] =	vst v11;
	s28 =	sadd.s32 $0x800, s28;
	v52 =	vadd.s32 s31, v4;
	v9 =	vld.idx.msk [tilespmem:v46+s13+$0x0], $0xffff  }
0xe4: {  	s30 =	sadd.s32 $0xB, s26;
	v10 =	vld.idx.msk [tilespmem:v47+s13+$0x0], $0xffff;
	[tilespmem:s28+$0x380] =	vst v6  }
0xe5: {  	v54 =	vadd.s32 s30, v4;
	s31 =	sadd.s32 $0xC, s26;
	v53 =	vld.idx.msk [tilespmem:v48+s13+$0x0], $0xffff;
	[tilespmem:s28+$0xFFFFFC80] =	vst v5  }
0xe6: {  	v55 =	vadd.s32 s31, v4;
	s31 =	sadd.s32 $0xE, s26;
	v56 =	vld.idx.msk [tilespmem:v50+s13+$0x0], $0xffff;
	[tilespmem:s28+$0xFFFFFD00] =	vst v7  }
0xe7: {  	s30 =	sadd.s32 $0xD, s26;
	v59 =	vadd.s32 s31, v4;
	v58 =	vld.idx.msk [tilespmem:v51+s13+$0x0], $0xffff;
	[tilespmem:s28+$0xFFFFFD80] =	vst v8  }
0xe8: {  	v57 =	vadd.s32 s30, v4;
	v4 =	vadd.s32 s26, v4;
	v60 =	vld.idx.msk [tilespmem:v52+s13+$0x0], $0xffff;
	[tilespmem:s28+$0xFFFFFE00] =	vst v9  }
0xe9: {  	v5 =	vld.idx.msk [tilespmem:v49+s13+$0x0], $0xffff;
	[tilespmem:s28+$0xFFFFFE80] =	vst v10  }
0xea: {  	v61 =	vld.idx.msk [tilespmem:v54+s13+$0x0], $0xffff;
	[tilespmem:s28+$0xFFFFFF00] =	vst v53  }
0xeb: {  	v62 =	vld.idx.msk [tilespmem:v55+s13+$0x0], $0xffff;
	[tilespmem:s28+$0x0] =	vst v56  }
0xec: {  	v63 =	vld.idx.msk [tilespmem:v59+s13+$0x0], $0xffff;
	[tilespmem:s28+$0x80] =	vst v58  }
0xed: {  	s25 =	sadd.s32 $0x1, s25;
	v4 =	vld.idx.msk [tilespmem:v4+s13+$0x0], $0xffff;
	[tilespmem:s28+$0x100] =	vst v60  }
0xee: {  	p0 =	sne.s32 s25, $0x8;
	[tilespmem:s28+$0xFFFFFF80] =	vst v5;
	v5 =	vld.idx.msk [tilespmem:v57+s13+$0x0], $0xffff  }
.Ltmp6:
0xef: {  	[tilespmem:s28+$0x180] =	vst v61;
	(pc) =	sbr.rel @p0 .LBB2_13-.Ltmp6, $4  }
0xf0: {  	[tilespmem:s28+$0x200] =	vst v62  }
0xf1: {  	[tilespmem:s28+$0x300] =	vst v63  }
0xf2: {  	[tilespmem:s28+$0xFFFFFC00] =	vst v4  }
0xf3: {  	s24 =	sadd.s32 $0x10, s24;
	[tilespmem:s28+$0x280] =	vst v5  }
0xf4: {  	s23 =	sshll.u32 s21, $0x13  }
0xf5: {  	s23 =	sor.u32 s7, s23  }
0xf6: {  	s23 =	sshrl.u32 s23, $0x3  }
0xf7: {  	s23 =	sadd.s32 s2, s23  }
0xf8: {  	[hbm4b:s23+s14] =	stream.strided.scatter [tilespmem:s16], [sflag:$0x1], $0x2000, s15, s14, $0x38;
	[tilespmem:$0x12680] =	vst v63  }
0xf9: {  	s22 =	sor.u32 $0x1, s22;
	_ =	swait.ge [sflag:s19], $0x2000  }
0xfa: {  	s24 =	simm.s32 $0x10A00;
	v4 =	vmov s22;
	[sflag:s19] =	ssyncset.done $0x0  }
0xfb: {  	s25 =	simm.s32 $0x0;
	vm0 =	vlt.s32 v4, v3;
	s23 =	simm.s32 $0x0;
	[sflag:s19] =	ssyncadd.s32 $0xFFFFE000  }
.LBB2_17:
0xfc: {  	s26 =	smul.u32 $0xC80, s25;
	_ =	sdelay $0x1  }
0xfd: {  	s26 =	sadd.s32 s22, s26  }
0xfe: {  	v4 =	vadd.s32 s26, v1;
	_ =	sdelay $0x4  }
0xff: {  	v4 =	vld.idx.msk [tilespmem:v4+s23+$0x0], $0xffff;
	_ =	sdelay $0x4  }
0x100: {  	v4 =	vmul.u32 $0x41, v4;
	_ =	sdelay $0x1  }
0x101: {  	v4 =	vadd.s32 $0x41, v4  }
0x102: {  	s31 =	simm.s32 $0xF;
	v4 =	vnsel vm0, $0x0, v4  }
0x103: {  	s28 =	simm.s32 $0x1;
	v5 =	vadd.s32 s31, v4  }
0x104: {  	v6 =	vadd.s32 s28, v4;
	s31 =	simm.s32 $0x2  }
0x105: {  	v7 =	vadd.s32 s31, v4;
	s31 =	simm.s32 $0x3  }
0x106: {  	v8 =	vadd.s32 s31, v4;
	s31 =	simm.s32 $0x4  }
0x107: {  	v9 =	vadd.s32 s31, v4;
	s31 =	simm.s32 $0x5  }
0x108: {  	v10 =	vadd.s32 s31, v4;
	s31 =	simm.s32 $0x6;
	v11 =	vld.idx.msk [tilespmem:v5+s13+$0x0], $0xffff  }
0x109: {  	v12 =	vld.idx.msk [tilespmem:v6+s13+$0x0], $0xffff;
	v5 =	vadd.s32 s31, v4;
	s31 =	simm.s32 $0x7  }
0x10a: {  	v14 =	vld.idx.msk [tilespmem:v7+s13+$0x0], $0xffff;
	v7 =	vadd.s32 s31, v4;
	s31 =	simm.s32 $0x8  }
0x10b: {  	v16 =	vld.idx.msk [tilespmem:v8+s13+$0x0], $0xffff;
	v8 =	vadd.s32 s31, v4;
	s31 =	simm.s32 $0x9  }
0x10c: {  	v17 =	vld.idx.msk [tilespmem:v9+s13+$0x0], $0xffff;
	v9 =	vadd.s32 s31, v4;
	s31 =	simm.s32 $0xA  }
0x10d: {  	v6 =	vld.idx.msk [tilespmem:v10+s13+$0x0], $0xffff;
	v10 =	vadd.s32 s31, v4;
	s31 =	simm.s32 $0xB  }
0x10e: {  	v5 =	vld.idx.msk [tilespmem:v5+s13+$0x0], $0xffff;
	[tilespmem:s24+$0x380] =	vst v11;
	v13 =	vadd.s32 s31, v4;
	s31 =	simm.s32 $0xC  }
0x10f: {  	s28 =	simm.s32 $0xD;
	[tilespmem:s24+$0xFFFFFC80] =	vst v12;
	v7 =	vld.idx.msk [tilespmem:v7+s13+$0x0], $0xffff;
	v15 =	vadd.s32 s31, v4  }
0x110: {  	v12 =	vadd.s32 s28, v4;
	s28 =	simm.s32 $0xE;
	[tilespmem:s24+$0xFFFFFD00] =	vst v14;
	v8 =	vld.idx.msk [tilespmem:v8+s13+$0x0], $0xffff  }
0x111: {  	s30 =	simm.s32 $0x1F;
	v14 =	vadd.s32 s28, v4;
	[tilespmem:s24+$0xFFFFFD80] =	vst v16;
	v9 =	vld.idx.msk [tilespmem:v9+s13+$0x0], $0xffff  }
0x112: {  	s29 =	simm.s32 $0x20;
	s26 =	simm.s32 $0x10;
	v11 =	vadd.s32 s23, v4;
	s28 =	smov.u32 s24;
	[tilespmem:s24+$0xFFFFFE00] =	vst v17;
	v10 =	vld.idx.msk [tilespmem:v10+s13+$0x0], $0xffff  }
.LBB2_18:
0x113: {  	p0 =	slt.u32 s29, $0x30;
	s31 =	sadd.s32 $0x1, s26;
	v16 =	vadd.s32 s30, v4;
	[tilespmem:s28+$0xFFFFFE80] =	vst v6;
	v6 =	vld.idx.msk [tilespmem:v13+s13+$0x0], $0xffff  }
0x114: {  	s30 =	sadd.s32 $0x2, s26;
	v13 =	vadd.s32 s31, v4;
	[tilespmem:s28+$0xFFFFFF00] =	vst v5;
	v5 =	vld.idx.msk [tilespmem:v15+s13+$0x0], $0xffff  }
0x115: {  	v15 =	vadd.s32 s30, v4;
	s30 =	sadd.s32 $0x3, s26;
	[tilespmem:s28+$0xFFFFFF80] =	vst v7;
	v7 =	vld.idx.msk [tilespmem:v12+s13+$0x0], $0xffff  }
0x116: {  	v12 =	vadd.s32 s30, v4;
	s30 =	sadd.s32 $0x4, s26;
	[tilespmem:s28+$0x0] =	vst v8;
	v8 =	vld.idx.msk [tilespmem:v14+s13+$0x0], $0xffff  }
0x117: {  	v14 =	vadd.s32 s30, v4;
	s30 =	sadd.s32 $0x5, s26;
	v11 =	vld.idx.msk [tilespmem:v11+s13+$0x0], $0xffff;
	[tilespmem:s28+$0x80] =	vst v9  }
0x118: {  	v9 =	vadd.s32 s30, v4;
	s30 =	sadd.s32 $0x6, s26;
	v16 =	vld.idx.msk [tilespmem:v16+s13+$0x0], $0xffff;
	[tilespmem:s28+$0x100] =	vst v10  }
0x119: {  	v10 =	vld.idx.msk [tilespmem:v13+s13+$0x0], $0xffff;
	v13 =	vadd.s32 s30, v4;
	s30 =	sadd.s32 $0x7, s26;
	[tilespmem:s28+$0x180] =	vst v6  }
0x11a: {  	v17 =	vld.idx.msk [tilespmem:v15+s13+$0x0], $0xffff;
	v15 =	vadd.s32 s30, v4;
	s30 =	sadd.s32 $0x8, s26;
	[tilespmem:s28+$0x200] =	vst v5  }
0x11b: {  	v18 =	vld.idx.msk [tilespmem:v12+s13+$0x0], $0xffff;
	v12 =	vadd.s32 s30, v4;
	s30 =	sadd.s32 $0x9, s26;
	[tilespmem:s28+$0x280] =	vst v7  }
0x11c: {  	v19 =	vld.idx.msk [tilespmem:v14+s13+$0x0], $0xffff;
	v14 =	vadd.s32 s30, v4;
	s30 =	sadd.s32 $0xA, s26;
	[tilespmem:s28+$0x300] =	vst v8  }
0x11d: {  	v6 =	vld.idx.msk [tilespmem:v9+s13+$0x0], $0xffff;
	v20 =	vadd.s32 s30, v4;
	s30 =	sadd.s32 $0xB, s26;
	[tilespmem:s28+$0xFFFFFC00] =	vst v11;
	s28 =	sadd.s32 $0x800, s28  }
.Ltmp7:
0x11e: {  	v5 =	vld.idx.msk [tilespmem:v13+s13+$0x0], $0xffff;
	v13 =	vadd.s32 s30, v4;
	s30 =	sadd.s32 $0xC, s26;
	[tilespmem:s28+$0x380] =	vst v16;
	(pc) =	sbr.rel @p0 .LBB2_18-.Ltmp7, $4  }
0x11f: {  	[tilespmem:s28+$0xFFFFFC80] =	vst v10;
	v7 =	vld.idx.msk [tilespmem:v15+s13+$0x0], $0xffff;
	v15 =	vadd.s32 s30, v4;
	s30 =	sadd.s32 $0xD, s26  }
0x120: {  	[tilespmem:s28+$0xFFFFFD00] =	vst v17;
	v8 =	vld.idx.msk [tilespmem:v12+s13+$0x0], $0xffff;
	v12 =	vadd.s32 s30, v4;
	s30 =	sadd.s32 $0xE, s26  }
0x121: {  	[tilespmem:s28+$0xFFFFFD80] =	vst v18;
	v9 =	vld.idx.msk [tilespmem:v14+s13+$0x0], $0xffff;
	v14 =	vadd.s32 s30, v4  }
0x122: {  	v11 =	vadd.s32 s26, v4;
	s26 =	smov.u32 s29;
	s30 =	sadd.s32 $0xF, s29;
	s29 =	sadd.s32 $0x10, s29;
	[tilespmem:s28+$0xFFFFFE00] =	vst v19;
	v10 =	vld.idx.msk [tilespmem:v20+s13+$0x0], $0xffff  }
0x123: {  	_ =	sdelay $0x2  }
0x124: {  	[tilespmem:s28+$0xFFFFFE80] =	vst v6  }
0x125: {  	s29 =	sadd.s32 $0x1, s26;
	v43 =	vadd.s32 s30, v4;
	v13 =	vld.idx.msk [tilespmem:v13+s13+$0x0], $0xffff;
	[tilespmem:s28+$0xFFFFFF00] =	vst v5  }
0x126: {  	s31 =	sadd.s32 $0x2, s26;
	v15 =	vld.idx.msk [tilespmem:v15+s13+$0x0], $0xffff;
	v5 =	vadd.s32 s29, v4;
	[tilespmem:s28+$0xFFFFFF80] =	vst v7  }
0x127: {  	s30 =	sadd.s32 $0x3, s26;
	v12 =	vld.idx.msk [tilespmem:v12+s13+$0x0], $0xffff;
	v44 =	vadd.s32 s31, v4;
	[tilespmem:s28+$0x0] =	vst v8  }
0x128: {  	v14 =	vld.idx.msk [tilespmem:v14+s13+$0x0], $0xffff;
	v45 =	vadd.s32 s30, v4;
	s31 =	sadd.s32 $0x4, s26;
	[tilespmem:s28+$0x80] =	vst v9  }
0x129: {  	v11 =	vld.idx.msk [tilespmem:v11+s13+$0x0], $0xffff;
	s30 =	sadd.s32 $0x5, s26;
	v46 =	vadd.s32 s31, v4;
	[tilespmem:s28+$0x100] =	vst v10  }
0x12a: {  	v47 =	vadd.s32 s30, v4;
	s31 =	sadd.s32 $0x6, s26;
	v6 =	vld.idx.msk [tilespmem:v43+s13+$0x0], $0xffff;
	[tilespmem:s28+$0x180] =	vst v13  }
0x12b: {  	s30 =	sadd.s32 $0x7, s26;
	v48 =	vadd.s32 s31, v4;
	s31 =	sadd.s32 $0x8, s26;
	[tilespmem:s28+$0x200] =	vst v15;
	v5 =	vld.idx.msk [tilespmem:v5+s13+$0x0], $0xffff  }
0x12c: {  	v49 =	vadd.s32 s30, v4;
	s30 =	sadd.s32 $0x9, s26;
	v50 =	vadd.s32 s31, v4;
	[tilespmem:s28+$0x280] =	vst v12;
	v7 =	vld.idx.msk [tilespmem:v44+s13+$0x0], $0xffff  }
0x12d: {  	v51 =	vadd.s32 s30, v4;
	s31 =	sadd.s32 $0xA, s26;
	[tilespmem:s28+$0x300] =	vst v14;
	v8 =	vld.idx.msk [tilespmem:v45+s13+$0x0], $0xffff  }
0x12e: {  	[tilespmem:s28+$0xFFFFFC00] =	vst v11;
	s28 =	sadd.s32 $0x800, s28;
	v52 =	vadd.s32 s31, v4;
	v9 =	vld.idx.msk [tilespmem:v46+s13+$0x0], $0xffff  }
0x12f: {  	s30 =	sadd.s32 $0xB, s26;
	v10 =	vld.idx.msk [tilespmem:v47+s13+$0x0], $0xffff;
	[tilespmem:s28+$0x380] =	vst v6  }
0x130: {  	v54 =	vadd.s32 s30, v4;
	s31 =	sadd.s32 $0xC, s26;
	v53 =	vld.idx.msk [tilespmem:v48+s13+$0x0], $0xffff;
	[tilespmem:s28+$0xFFFFFC80] =	vst v5  }
0x131: {  	v55 =	vadd.s32 s31, v4;
	s31 =	sadd.s32 $0xE, s26;
	v56 =	vld.idx.msk [tilespmem:v50+s13+$0x0], $0xffff;
	[tilespmem:s28+$0xFFFFFD00] =	vst v7  }
0x132: {  	s30 =	sadd.s32 $0xD, s26;
	v59 =	vadd.s32 s31, v4;
	v58 =	vld.idx.msk [tilespmem:v51+s13+$0x0], $0xffff;
	[tilespmem:s28+$0xFFFFFD80] =	vst v8  }
0x133: {  	v57 =	vadd.s32 s30, v4;
	v4 =	vadd.s32 s26, v4;
	v60 =	vld.idx.msk [tilespmem:v52+s13+$0x0], $0xffff;
	[tilespmem:s28+$0xFFFFFE00] =	vst v9  }
0x134: {  	v5 =	vld.idx.msk [tilespmem:v49+s13+$0x0], $0xffff;
	[tilespmem:s28+$0xFFFFFE80] =	vst v10  }
0x135: {  	v61 =	vld.idx.msk [tilespmem:v54+s13+$0x0], $0xffff;
	[tilespmem:s28+$0xFFFFFF00] =	vst v53  }
0x136: {  	v62 =	vld.idx.msk [tilespmem:v55+s13+$0x0], $0xffff;
	[tilespmem:s28+$0x0] =	vst v56  }
0x137: {  	v63 =	vld.idx.msk [tilespmem:v59+s13+$0x0], $0xffff;
	[tilespmem:s28+$0x80] =	vst v58  }
0x138: {  	s25 =	sadd.s32 $0x1, s25;
	v4 =	vld.idx.msk [tilespmem:v4+s13+$0x0], $0xffff;
	[tilespmem:s28+$0x100] =	vst v60  }
0x139: {  	p0 =	sne.s32 s25, $0x8;
	[tilespmem:s28+$0xFFFFFF80] =	vst v5;
	v5 =	vld.idx.msk [tilespmem:v57+s13+$0x0], $0xffff  }
.Ltmp8:
0x13a: {  	[tilespmem:s28+$0x180] =	vst v61;
	(pc) =	sbr.rel @p0 .LBB2_17-.Ltmp8, $4  }
0x13b: {  	[tilespmem:s28+$0x200] =	vst v62  }
0x13c: {  	[tilespmem:s28+$0x300] =	vst v63  }
0x13d: {  	[tilespmem:s28+$0xFFFFFC00] =	vst v4  }
0x13e: {  	s24 =	sadd.s32 $0x10, s24;
	[tilespmem:s28+$0x280] =	vst v5  }
0x13f: {  	s21 =	sadd.s32 $0x1, s21  }
0x140: {  	p0 =	sne.s32 s21, $0x64  }
.Ltmp9:
0x141: {  	s22 =	sshll.u32 s22, $0x12;
	(pc) =	sbr.rel @p0 .LBB2_12-.Ltmp9, $4  }
0x142: {  	s22 =	sor.u32 s7, s22  }
0x143: {  	s22 =	sshrl.u32 s22, $0x3  }
0x144: {  	s22 =	sadd.s32 s2, s22  }
0x145: {  	[hbm4b:s22+s14] =	stream.strided.scatter [tilespmem:s17], [sflag:$0x2], $0x2000, s15, s14, $0x38;
	[tilespmem:$0x12680] =	vst v63  }
0x146: {  	s20 =	sadd.s32 $0x1, s20  }
0x147: {  	_ =	swait.ge [sflag:s18], $0x2000;
	p0 =	sne.s32 s20, s10  }
.Ltmp10:
0x148: {  	[sflag:s18] =	ssyncset.done $0x0;
	(pc) =	sbr.rel @p0 .LBB2_1-.Ltmp10, $4  }
0x149: {  	[sflag:s18] =	ssyncadd.s32 $0xFFFFE000  }
0x14a: {  	_ =	swait.ge [sflag:s19], $0x2000  }
0x14b: {  	[sflag:s19] =	ssyncset.done $0x0  }
0x14c: {  	[sflag:s19] =	ssyncadd.s32 $0xFFFFE000  }
0x14d: {  	_ =	sfence.sel $0x180000  }
0x14e: {  	[bflag:$0x0] =	sbarrier.arrive $0xFFFF  }
0x14f: {  	p0 =	sne.s32 s0, $0x0;
	_ =	strace $0x90000047  }
0x150: {  	s0 =	sadd.s32 @!p0 $0x100000, s1;
	[bflag:$0x2] =	sbarrier.arrive $0xFFFF  }
0x151: {  	[sflag:s0] =	ssyncadd.tile.s32 @!p0 $0x1;
	_ =	shalt  }
.Lfunc_end2:
_tile_overlayer_lowered:
.L_overlay_start_2:
0x152: {  	(tag) =	ssettag $0x2  }
0x153: {  	s0 =	rddreg [dreg:$0x0];
	s2 =	stileid.u32  }
0x154: {  	s1 =	rddreg [dreg:$0x1];
	p0 =	sne.s32 s2, $0x0  }
0x155: {  	s3 =	rddreg [dreg:$0x2];
	[bflag:$0x3] =	sbarrier.arrive $0xFFFF;
	s2 =	simm.s32 @!p0 $0x1C03  }
0x156: {  	[timem:s3], [sflag:s2] =	dma.local @!p0 [hbm:s0], s1  }
0x157: {  	s0 =	simm.s32 @!p0 $0x3  }
0x158: {  	_ =	swait.ge @!p0 [sflag:s0], s1  }
0x159: {  	s1 =	ssub.s32 @!p0 $0x0, s1;
	[sflag:s0] =	ssyncset.done @!p0 $0x0  }
0x15a: {  	[sflag:s0] =	ssyncadd.s32 @!p0 s1  }
0x15b: {  	[bflag:$0x3] =	sbarrier.arrive $0xFFFF  }
0x15c: {  	_ =	shalt  }

</sc_bundles>
